<compile_context>
chip_gen: v7x
topology: tpu7x:2x2x1
jax: 0.10.2.dev20260603
libtpu: 0.0.44.dev20260713+nightly
codegen_flags: <defaults>
</compile_context>

<pallas_src>
import jax
import jax.numpy as jnp
from jax import lax
from jax.experimental import pallas as pl
from jax.experimental.pallas import tpu as pltpu
from jax.experimental.pallas import tpu_sc as plsc

_B, _S, _V, _E = 4096, 200, 100000, 64
_NC, _NS = 2, 16
_NW = _NC * _NS
_BPW = _B // _NW
_CHUNKS = ((0, 64), (64, 64), (128, 72))
_NSLOT = 4


def _issue_row(table_hbm, idx_v, i, slot_buf, sem):
    off = i * _S
    for c_off, c_len in _CHUNKS:
        pltpu.async_copy(table_hbm.at[idx_v.at[pl.ds(off + c_off, c_len)]],
                         slot_buf.at[pl.ds(c_off, c_len)], sem)


def _drain_row(table_hbm, slot_buf, sem):
    pltpu.make_async_copy(table_hbm.at[pl.ds(0, _S)], slot_buf, sem).wait()


def _reduce_row(buf, i, avg_v):
    def body(j, acc):
        accs = list(acc)
        for u in range(4):
            r = j * 4 + u
            for g in range(_E // 16):
                accs[g] = accs[g] + buf[r, pl.ds(g * 16, 16)]
        return tuple(accs)

    z = jnp.zeros((16,), jnp.float32)
    acc = lax.fori_loop(0, _S // 4, body, (z,) * (_E // 16))
    for g in range(_E // 16):
        avg_v[i, pl.ds(g * 16, 16)] = acc[g] * (1.0 / _S)


def _sc_body(x_hbm, table_hbm, out_hbm, idx_v, bufs, avg_v, sems):
    wid = lax.axis_index("s") * _NC + lax.axis_index("c")
    base = wid * _BPW
    pltpu.sync_copy(x_hbm.at[pl.ds(base * _S, _BPW * _S)], idx_v)

    for j in range(_NSLOT - 1):
        _issue_row(table_hbm, idx_v, j, bufs[j], sems[j])

    def outer(k, _):
        for u in range(_NSLOT):
            i = k * _NSLOT + u
            _drain_row(table_hbm, bufs[u], sems[u])
            nxt = i + _NSLOT - 1
            nxt_slot = (u + _NSLOT - 1) % _NSLOT

            @pl.when(nxt < _BPW)
            def _():
                _issue_row(table_hbm, idx_v, nxt, bufs[nxt_slot], sems[nxt_slot])

            _reduce_row(bufs[u], i, avg_v)
        return 0

    lax.fori_loop(0, _BPW // _NSLOT, outer, 0)
    pltpu.sync_copy(avg_v, out_hbm.at[pl.ds(base, _BPW)])


def _sc_gather_mean(x_flat, table):
    mesh = plsc.VectorSubcoreMesh(core_axis_name="c", subcore_axis_name="s",
                                  num_cores=_NC, num_subcores=_NS)
    fn = pl.kernel(
        _sc_body,
        out_type=jax.ShapeDtypeStruct((_B, _E), jnp.float32),
        mesh=mesh,
        scratch_types=[
            pltpu.VMEM((_BPW * _S,), jnp.int32),
            [pltpu.VMEM((_S, _E), jnp.float32) for _ in range(_NSLOT)],
            pltpu.VMEM((_BPW, _E), jnp.float32),
            [pltpu.SemaphoreType.DMA for _ in range(_NSLOT)],
        ],
        compiler_params=pltpu.CompilerParams(use_tc_tiling_on_sc=False),
    )
    return fn(x_flat, table)


def _mlp_body(avg_ref, w1_ref, b1_ref, w2_ref, b2_ref, out_ref):
    h = jnp.dot(avg_ref[...], w1_ref[...],
                preferred_element_type=jnp.float32) + b1_ref[...]
    h = jnp.maximum(h, 0.0)
    logits = jnp.dot(h, w2_ref[...],
                     preferred_element_type=jnp.float32) + b2_ref[...]
    mx = jnp.max(logits, axis=1, keepdims=True)
    lse = jnp.log(jnp.sum(jnp.exp(logits - mx), axis=1, keepdims=True)) + mx
    out_ref[...] = logits - lse


def _tc_mlp(avg, W1, b1, W2, b2):
    return pl.pallas_call(
        _mlp_body,
        out_shape=jax.ShapeDtypeStruct((_B, 2), jnp.float32),
    )(avg, W1, b1.reshape(1, -1), W2, b2.reshape(1, -1))


def kernel(x, table, W1, b1, W2, b2):
    x_flat = x.reshape(-1).astype(jnp.int32)
    avg = _sc_gather_mean(x_flat, table)
    return _tc_mlp(avg, W1, b1, W2, b2)

# --- scband reference (transcript-rebuilt; emitter-appended) ---
"""Pipeline reference for scband-rand-dan-59055800320213 (READ-ONLY COPY).

The authoritative reference and input builder live on the scoring server;
editing this copy changes nothing except your own understanding.
"""

import jax, jax.numpy as jnp
import numpy as np

VOCAB = 100000
EMBED = 64
HIDDEN = 128
BATCH = 4096
SEQ = 200

def setup_inputs(seed: int = 0) -> dict:
    key = jax.random.key(seed)
    k1, k2, k3, k4, k5, k6 = jax.random.split(key, 6)
    x = jax.random.randint(k1, (BATCH, SEQ), 0, VOCAB, dtype=jnp.int64 if jax.config.jax_enable_x64 else jnp.int32)
    table = jax.random.normal(k2, (VOCAB, EMBED), dtype=jnp.float32)
    W1 = jax.random.normal(k3, (EMBED, HIDDEN), dtype=jnp.float32) * (1.0 / np.sqrt(EMBED))
    b1 = jax.random.normal(k4, (HIDDEN,), dtype=jnp.float32) * 0.01
    W2 = jax.random.normal(k5, (HIDDEN, 2), dtype=jnp.float32) * (1.0 / np.sqrt(HIDDEN))
    b2 = jax.random.normal(k6, (2,), dtype=jnp.float32) * 0.01
    return {"x": x, "table": table, "W1": W1, "b1": b1, "W2": W2, "b2": b2}

def reference(x, table, W1, b1, W2, b2):
    # embedding lookup (gather) + mean over sequence dim
    emb = jnp.take(table, x, axis=0)          # [B, S, E]
    avg = emb.mean(axis=1)                    # [B, E]
    h = jax.nn.relu(avg @ W1 + b1)            # [B, H]
    logits = h @ W2 + b2                      # [B, 2]
    return jax.nn.log_softmax(logits, axis=1)

if __name__ == "__main__":
    import jax
    _d = setup_inputs()
    print(jax.jit(kernel)(*tuple(_d.values())))

</pallas_src>

<mosaic_0001>
#map = affine_map<(d0, d1) -> (0)>
#map1 = affine_map<(d0, d1) -> (0, 0)>
module attributes {stable_mosaic.version = 14 : i64} {
  func.func @_sc_body(%arg0: i32, %arg1: i32, %arg2: memref<819200xi32, #tpu.memory_space<hbm>>, %arg3: memref<100000x64xf32, #tpu.memory_space<hbm>>, %arg4: memref<4096x64xf32, #tpu.memory_space<hbm>>, %arg5: memref<25600xi32, #tpu.memory_space<vmem>>, %arg6: memref<200x64xf32, #tpu.memory_space<vmem>>, %arg7: memref<200x64xf32, #tpu.memory_space<vmem>>, %arg8: memref<200x64xf32, #tpu.memory_space<vmem>>, %arg9: memref<200x64xf32, #tpu.memory_space<vmem>>, %arg10: memref<128x64xf32, #tpu.memory_space<vmem>>, %arg11: memref<!tpu.dma_semaphore, #tpu.memory_space<semaphore_mem>>, %arg12: memref<!tpu.dma_semaphore, #tpu.memory_space<semaphore_mem>>, %arg13: memref<!tpu.dma_semaphore, #tpu.memory_space<semaphore_mem>>, %arg14: memref<!tpu.dma_semaphore, #tpu.memory_space<semaphore_mem>>) attributes {dimension_semantics = [#tpu.dimension_semantics<core_parallel>, #tpu.dimension_semantics<subcore_parallel>], iteration_bounds = array<i64: 2, 16>, scalar_prefetch = 0 : i64, scratch_operands = 10 : i64, tpu.core_type = #tpu.core_type<sc_vector_subcore>, window_params = [{transform_indices = #map}, {transform_indices = #map1}, {transform_indices = #map1}]} {
    %mul3A = arith.constant 2 : i32
    %mul3A_0 = arith.muli %arg1, %mul3A : i32
    %add3A = arith.addi %mul3A_0, %arg0 : i32
    %mul3A_1 = arith.constant 128 : i32
    %mul3A_2 = arith.muli %add3A, %mul3A_1 : i32
    %mul3A_3 = arith.constant 200 : i32
    %mul3A_4 = arith.muli %mul3A_2, %mul3A_3 : i32
    "tpu.region"() ({
      %run_scoped3A = tpu.sem_alloc : memref<!tpu.dma_semaphore, #tpu.memory_space<semaphore_mem>>
      %dma_start3A_82 = tpu.memref_slice %arg2[%mul3A_4] : memref<819200xi32, #tpu.memory_space<hbm>> -> memref<25600xi32, #tpu.memory_space<hbm>>
      %dma_start3A_83 = tpu.memref_slice %arg2[%mul3A_4] : memref<819200xi32, #tpu.memory_space<hbm>> -> memref<25600xi32, #tpu.memory_space<hbm>>
      tpu.enqueue_dma source(%dma_start3A_83 : memref<25600xi32, #tpu.memory_space<hbm>>) target(%arg5 : memref<25600xi32, #tpu.memory_space<vmem>>) target_semaphore(%run_scoped3A : memref<!tpu.dma_semaphore, #tpu.memory_space<semaphore_mem>>)
      %dma_wait3A = tpu.memref_slice %arg2[%mul3A_4] : memref<819200xi32, #tpu.memory_space<hbm>> -> memref<25600xi32, #tpu.memory_space<hbm>>
      %dma_wait3A_84 = tpu.memref_slice %arg2[%mul3A_4] : memref<819200xi32, #tpu.memory_space<hbm>> -> memref<25600xi32, #tpu.memory_space<hbm>>
      tpu.wait_dma2 semaphore(%run_scoped3A : memref<!tpu.dma_semaphore, #tpu.memory_space<semaphore_mem>>) src(%dma_wait3A_84 : memref<25600xi32, #tpu.memory_space<hbm>>) dst(%arg5 : memref<25600xi32, #tpu.memory_space<vmem>>)
      tpu.yield
    }) : () -> ()
    %dma_start3A = arith.constant 0 : i32
    %dma_start3A_5 = arith.constant 0 : i32
    %dma_start3A_6 = tpu.memref_slice %arg6[%dma_start3A, %dma_start3A_5] : memref<200x64xf32, #tpu.memory_space<vmem>> -> memref<64x64xf32, #tpu.memory_space<vmem>>
    %dma_start3A_7 = arith.constant 0 : i32
    %dma_start3A_8 = tpu.memref_slice %arg5[%dma_start3A_7] : memref<25600xi32, #tpu.memory_space<vmem>> -> memref<64xi32, #tpu.memory_space<vmem>>
    %dma_start3A_9 = arith.constant 0 : i32
    %dma_start3A_10 = arith.constant 0 : i32
    %dma_start3A_11 = tpu.memref_slice %arg3[%dma_start3A_9, %dma_start3A_10] : memref<100000x64xf32, #tpu.memory_space<hbm>> -> memref<100000x64xf32, #tpu.memory_space<hbm>>
    tpu.enqueue_indirect_dma source(%dma_start3A_11 : memref<100000x64xf32, #tpu.memory_space<hbm>>) target(%dma_start3A_6 : memref<64x64xf32, #tpu.memory_space<vmem>>) offsets(%dma_start3A_8 : memref<64xi32, #tpu.memory_space<vmem>>) semaphore(%arg11 : memref<!tpu.dma_semaphore, #tpu.memory_space<semaphore_mem>>)
    %dma_start3A_12 = arith.constant 64 : i32
    %dma_start3A_13 = arith.constant 0 : i32
    %dma_start3A_14 = tpu.memref_slice %arg6[%dma_start3A_12, %dma_start3A_13] : memref<200x64xf32, #tpu.memory_space<vmem>> -> memref<64x64xf32, #tpu.memory_space<vmem>>
    %dma_start3A_15 = arith.constant 64 : i32
    %dma_start3A_16 = tpu.memref_slice %arg5[%dma_start3A_15] : memref<25600xi32, #tpu.memory_space<vmem>> -> memref<64xi32, #tpu.memory_space<vmem>>
    %dma_start3A_17 = arith.constant 0 : i32
    %dma_start3A_18 = arith.constant 0 : i32
    %dma_start3A_19 = tpu.memref_slice %arg3[%dma_start3A_17, %dma_start3A_18] : memref<100000x64xf32, #tpu.memory_space<hbm>> -> memref<100000x64xf32, #tpu.memory_space<hbm>>
    tpu.enqueue_indirect_dma source(%dma_start3A_19 : memref<100000x64xf32, #tpu.memory_space<hbm>>) target(%dma_start3A_14 : memref<64x64xf32, #tpu.memory_space<vmem>>) offsets(%dma_start3A_16 : memref<64xi32, #tpu.memory_space<vmem>>) semaphore(%arg11 : memref<!tpu.dma_semaphore, #tpu.memory_space<semaphore_mem>>)
    %dma_start3A_20 = arith.constant 128 : i32
    %dma_start3A_21 = arith.constant 0 : i32
    %dma_start3A_22 = tpu.memref_slice %arg6[%dma_start3A_20, %dma_start3A_21] : memref<200x64xf32, #tpu.memory_space<vmem>> -> memref<72x64xf32, #tpu.memory_space<vmem>>
    %dma_start3A_23 = arith.constant 128 : i32
    %dma_start3A_24 = tpu.memref_slice %arg5[%dma_start3A_23] : memref<25600xi32, #tpu.memory_space<vmem>> -> memref<72xi32, #tpu.memory_space<vmem>>
    %dma_start3A_25 = arith.constant 0 : i32
    %dma_start3A_26 = arith.constant 0 : i32
    %dma_start3A_27 = tpu.memref_slice %arg3[%dma_start3A_25, %dma_start3A_26] : memref<100000x64xf32, #tpu.memory_space<hbm>> -> memref<100000x64xf32, #tpu.memory_space<hbm>>
    tpu.enqueue_indirect_dma source(%dma_start3A_27 : memref<100000x64xf32, #tpu.memory_space<hbm>>) target(%dma_start3A_22 : memref<72x64xf32, #tpu.memory_space<vmem>>) offsets(%dma_start3A_24 : memref<72xi32, #tpu.memory_space<vmem>>) semaphore(%arg11 : memref<!tpu.dma_semaphore, #tpu.memory_space<semaphore_mem>>)
    %dma_start3A_28 = arith.constant 0 : i32
    %dma_start3A_29 = arith.constant 0 : i32
    %dma_start3A_30 = tpu.memref_slice %arg7[%dma_start3A_28, %dma_start3A_29] : memref<200x64xf32, #tpu.memory_space<vmem>> -> memref<64x64xf32, #tpu.memory_space<vmem>>
    %dma_start3A_31 = arith.constant 200 : i32
    %dma_start3A_32 = tpu.memref_slice %arg5[%dma_start3A_31] : memref<25600xi32, #tpu.memory_space<vmem>> -> memref<64xi32, #tpu.memory_space<vmem>>
    %dma_start3A_33 = arith.constant 0 : i32
    %dma_start3A_34 = arith.constant 0 : i32
    %dma_start3A_35 = tpu.memref_slice %arg3[%dma_start3A_33, %dma_start3A_34] : memref<100000x64xf32, #tpu.memory_space<hbm>> -> memref<100000x64xf32, #tpu.memory_space<hbm>>
    tpu.enqueue_indirect_dma source(%dma_start3A_35 : memref<100000x64xf32, #tpu.memory_space<hbm>>) target(%dma_start3A_30 : memref<64x64xf32, #tpu.memory_space<vmem>>) offsets(%dma_start3A_32 : memref<64xi32, #tpu.memory_space<vmem>>) semaphore(%arg12 : memref<!tpu.dma_semaphore, #tpu.memory_space<semaphore_mem>>)
    %dma_start3A_36 = arith.constant 64 : i32
    %dma_start3A_37 = arith.constant 0 : i32
    %dma_start3A_38 = tpu.memref_slice %arg7[%dma_start3A_36, %dma_start3A_37] : memref<200x64xf32, #tpu.memory_space<vmem>> -> memref<64x64xf32, #tpu.memory_space<vmem>>
    %dma_start3A_39 = arith.constant 264 : i32
    %dma_start3A_40 = tpu.memref_slice %arg5[%dma_start3A_39] : memref<25600xi32, #tpu.memory_space<vmem>> -> memref<64xi32, #tpu.memory_space<vmem>>
    %dma_start3A_41 = arith.constant 0 : i32
    %dma_start3A_42 = arith.constant 0 : i32
    %dma_start3A_43 = tpu.memref_slice %arg3[%dma_start3A_41, %dma_start3A_42] : memref<100000x64xf32, #tpu.memory_space<hbm>> -> memref<100000x64xf32, #tpu.memory_space<hbm>>
    tpu.enqueue_indirect_dma source(%dma_start3A_43 : memref<100000x64xf32, #tpu.memory_space<hbm>>) target(%dma_start3A_38 : memref<64x64xf32, #tpu.memory_space<vmem>>) offsets(%dma_start3A_40 : memref<64xi32, #tpu.memory_space<vmem>>) semaphore(%arg12 : memref<!tpu.dma_semaphore, #tpu.memory_space<semaphore_mem>>)
    %dma_start3A_44 = arith.constant 128 : i32
    %dma_start3A_45 = arith.constant 0 : i32
    %dma_start3A_46 = tpu.memref_slice %arg7[%dma_start3A_44, %dma_start3A_45] : memref<200x64xf32, #tpu.memory_space<vmem>> -> memref<72x64xf32, #tpu.memory_space<vmem>>
    %dma_start3A_47 = arith.constant 328 : i32
    %dma_start3A_48 = tpu.memref_slice %arg5[%dma_start3A_47] : memref<25600xi32, #tpu.memory_space<vmem>> -> memref<72xi32, #tpu.memory_space<vmem>>
    %dma_start3A_49 = arith.constant 0 : i32
    %dma_start3A_50 = arith.constant 0 : i32
    %dma_start3A_51 = tpu.memref_slice %arg3[%dma_start3A_49, %dma_start3A_50] : memref<100000x64xf32, #tpu.memory_space<hbm>> -> memref<100000x64xf32, #tpu.memory_space<hbm>>
    tpu.enqueue_indirect_dma source(%dma_start3A_51 : memref<100000x64xf32, #tpu.memory_space<hbm>>) target(%dma_start3A_46 : memref<72x64xf32, #tpu.memory_space<vmem>>) offsets(%dma_start3A_48 : memref<72xi32, #tpu.memory_space<vmem>>) semaphore(%arg12 : memref<!tpu.dma_semaphore, #tpu.memory_space<semaphore_mem>>)
    %dma_start3A_52 = arith.constant 0 : i32
    %dma_start3A_53 = arith.constant 0 : i32
    %dma_start3A_54 = tpu.memref_slice %arg8[%dma_start3A_52, %dma_start3A_53] : memref<200x64xf32, #tpu.memory_space<vmem>> -> memref<64x64xf32, #tpu.memory_space<vmem>>
    %dma_start3A_55 = arith.constant 400 : i32
    %dma_start3A_56 = tpu.memref_slice %arg5[%dma_start3A_55] : memref<25600xi32, #tpu.memory_space<vmem>> -> memref<64xi32, #tpu.memory_space<vmem>>
    %dma_start3A_57 = arith.constant 0 : i32
    %dma_start3A_58 = arith.constant 0 : i32
    %dma_start3A_59 = tpu.memref_slice %arg3[%dma_start3A_57, %dma_start3A_58] : memref<100000x64xf32, #tpu.memory_space<hbm>> -> memref<100000x64xf32, #tpu.memory_space<hbm>>
    tpu.enqueue_indirect_dma source(%dma_start3A_59 : memref<100000x64xf32, #tpu.memory_space<hbm>>) target(%dma_start3A_54 : memref<64x64xf32, #tpu.memory_space<vmem>>) offsets(%dma_start3A_56 : memref<64xi32, #tpu.memory_space<vmem>>) semaphore(%arg13 : memref<!tpu.dma_semaphore, #tpu.memory_space<semaphore_mem>>)
    %dma_start3A_60 = arith.constant 64 : i32
    %dma_start3A_61 = arith.constant 0 : i32
    %dma_start3A_62 = tpu.memref_slice %arg8[%dma_start3A_60, %dma_start3A_61] : memref<200x64xf32, #tpu.memory_space<vmem>> -> memref<64x64xf32, #tpu.memory_space<vmem>>
    %dma_start3A_63 = arith.constant 464 : i32
    %dma_start3A_64 = tpu.memref_slice %arg5[%dma_start3A_63] : memref<25600xi32, #tpu.memory_space<vmem>> -> memref<64xi32, #tpu.memory_space<vmem>>
    %dma_start3A_65 = arith.constant 0 : i32
    %dma_start3A_66 = arith.constant 0 : i32
    %dma_start3A_67 = tpu.memref_slice %arg3[%dma_start3A_65, %dma_start3A_66] : memref<100000x64xf32, #tpu.memory_space<hbm>> -> memref<100000x64xf32, #tpu.memory_space<hbm>>
    tpu.enqueue_indirect_dma source(%dma_start3A_67 : memref<100000x64xf32, #tpu.memory_space<hbm>>) target(%dma_start3A_62 : memref<64x64xf32, #tpu.memory_space<vmem>>) offsets(%dma_start3A_64 : memref<64xi32, #tpu.memory_space<vmem>>) semaphore(%arg13 : memref<!tpu.dma_semaphore, #tpu.memory_space<semaphore_mem>>)
    %dma_start3A_68 = arith.constant 128 : i32
    %dma_start3A_69 = arith.constant 0 : i32
    %dma_start3A_70 = tpu.memref_slice %arg8[%dma_start3A_68, %dma_start3A_69] : memref<200x64xf32, #tpu.memory_space<vmem>> -> memref<72x64xf32, #tpu.memory_space<vmem>>
    %dma_start3A_71 = arith.constant 528 : i32
    %dma_start3A_72 = tpu.memref_slice %arg5[%dma_start3A_71] : memref<25600xi32, #tpu.memory_space<vmem>> -> memref<72xi32, #tpu.memory_space<vmem>>
    %dma_start3A_73 = arith.constant 0 : i32
    %dma_start3A_74 = arith.constant 0 : i32
    %dma_start3A_75 = tpu.memref_slice %arg3[%dma_start3A_73, %dma_start3A_74] : memref<100000x64xf32, #tpu.memory_space<hbm>> -> memref<100000x64xf32, #tpu.memory_space<hbm>>
    tpu.enqueue_indirect_dma source(%dma_start3A_75 : memref<100000x64xf32, #tpu.memory_space<hbm>>) target(%dma_start3A_70 : memref<72x64xf32, #tpu.memory_space<vmem>>) offsets(%dma_start3A_72 : memref<72xi32, #tpu.memory_space<vmem>>) semaphore(%arg13 : memref<!tpu.dma_semaphore, #tpu.memory_space<semaphore_mem>>)
    %scan3A = arith.constant 0 : i32
    %scan3A_76 = arith.constant 0 : i32
    %scan3A_77 = arith.constant 32 : i32
    %scan3A_78 = arith.addi %scan3A_76, %scan3A_77 : i32
    %scan3A_79 = arith.constant 1 : i32
    %scan3A_80 = scf.for %scan3A_82 = %scan3A_76 to %scan3A_78 step %scan3A_79 iter_args(%scan3A_83 = %scan3A) -> (i32)  : i32 {
      %mul3A_84 = arith.constant 4 : i32
      %mul3A_85 = arith.muli %scan3A_82, %mul3A_84 : i32
      %add3A_86 = arith.constant 0 : i32
      %add3A_87 = arith.addi %mul3A_85, %add3A_86 : i32
      %dma_wait3A = arith.constant 0 : i32
      %dma_wait3A_88 = arith.constant 0 : i32
      %dma_wait3A_89 = tpu.memref_slice %arg3[%dma_wait3A, %dma_wait3A_88] : memref<100000x64xf32, #tpu.memory_space<hbm>> -> memref<200x64xf32, #tpu.memory_space<hbm>>
      %dma_wait3A_90 = arith.constant 0 : i32
      %dma_wait3A_91 = arith.constant 0 : i32
      %dma_wait3A_92 = tpu.memref_slice %arg3[%dma_wait3A_90, %dma_wait3A_91] : memref<100000x64xf32, #tpu.memory_space<hbm>> -> memref<200x64xf32, #tpu.memory_space<hbm>>
      tpu.wait_dma2 semaphore(%arg11 : memref<!tpu.dma_semaphore, #tpu.memory_space<semaphore_mem>>) src(%dma_wait3A_92 : memref<200x64xf32, #tpu.memory_space<hbm>>) dst(%arg6 : memref<200x64xf32, #tpu.memory_space<vmem>>)
      %add3A_93 = arith.constant 4 : i32
      %add3A_94 = arith.addi %add3A_87, %add3A_93 : i32
      %sub3A = arith.constant 1 : i32
      %sub3A_95 = arith.subi %add3A_94, %sub3A : i32
      %lt3A = arith.constant 128 : i32
      %lt3A_96 = arith.cmpi slt, %sub3A_95, %lt3A : i32
      %convert_element_type3A = arith.extui %lt3A_96 : i1 to i32
      %cond3A = arith.constant 0 : i32
      %cond3A_97 = arith.cmpi ne, %convert_element_type3A, %cond3A : i32
      scf.if %cond3A_97 {
        %mul3A_314 = arith.constant 200 : i32
        %mul3A_315 = arith.muli %sub3A_95, %mul3A_314 : i32
        %add3A_316 = arith.constant 0 : i32
        %add3A_317 = arith.addi %mul3A_315, %add3A_316 : i32
        %dma_start3A_318 = arith.constant 0 : i32
        %dma_start3A_319 = arith.constant 0 : i32
        %dma_start3A_320 = tpu.memref_slice %arg9[%dma_start3A_318, %dma_start3A_319] : memref<200x64xf32, #tpu.memory_space<vmem>> -> memref<64x64xf32, #tpu.memory_space<vmem>>
        %dma_start3A_321 = tpu.memref_slice %arg5[%add3A_317] : memref<25600xi32, #tpu.memory_space<vmem>> -> memref<64xi32, #tpu.memory_space<vmem>>
        %dma_start3A_322 = arith.constant 0 : i32
        %dma_start3A_323 = arith.constant 0 : i32
        %dma_start3A_324 = tpu.memref_slice %arg3[%dma_start3A_322, %dma_start3A_323] : memref<100000x64xf32, #tpu.memory_space<hbm>> -> memref<100000x64xf32, #tpu.memory_space<hbm>>
        tpu.enqueue_indirect_dma source(%dma_start3A_324 : memref<100000x64xf32, #tpu.memory_space<hbm>>) target(%dma_start3A_320 : memref<64x64xf32, #tpu.memory_space<vmem>>) offsets(%dma_start3A_321 : memref<64xi32, #tpu.memory_space<vmem>>) semaphore(%arg14 : memref<!tpu.dma_semaphore, #tpu.memory_space<semaphore_mem>>)
        %add3A_325 = arith.constant 64 : i32
        %add3A_326 = arith.addi %mul3A_315, %add3A_325 : i32
        %dma_start3A_327 = arith.constant 64 : i32
        %dma_start3A_328 = arith.constant 0 : i32
        %dma_start3A_329 = tpu.memref_slice %arg9[%dma_start3A_327, %dma_start3A_328] : memref<200x64xf32, #tpu.memory_space<vmem>> -> memref<64x64xf32, #tpu.memory_space<vmem>>
        %dma_start3A_330 = tpu.memref_slice %arg5[%add3A_326] : memref<25600xi32, #tpu.memory_space<vmem>> -> memref<64xi32, #tpu.memory_space<vmem>>
        %dma_start3A_331 = arith.constant 0 : i32
        %dma_start3A_332 = arith.constant 0 : i32
        %dma_start3A_333 = tpu.memref_slice %arg3[%dma_start3A_331, %dma_start3A_332] : memref<100000x64xf32, #tpu.memory_space<hbm>> -> memref<100000x64xf32, #tpu.memory_space<hbm>>
        tpu.enqueue_indirect_dma source(%dma_start3A_333 : memref<100000x64xf32, #tpu.memory_space<hbm>>) target(%dma_start3A_329 : memref<64x64xf32, #tpu.memory_space<vmem>>) offsets(%dma_start3A_330 : memref<64xi32, #tpu.memory_space<vmem>>) semaphore(%arg14 : memref<!tpu.dma_semaphore, #tpu.memory_space<semaphore_mem>>)
        %add3A_334 = arith.constant 128 : i32
        %add3A_335 = arith.addi %mul3A_315, %add3A_334 : i32
        %dma_start3A_336 = arith.constant 128 : i32
        %dma_start3A_337 = arith.constant 0 : i32
        %dma_start3A_338 = tpu.memref_slice %arg9[%dma_start3A_336, %dma_start3A_337] : memref<200x64xf32, #tpu.memory_space<vmem>> -> memref<72x64xf32, #tpu.memory_space<vmem>>
        %dma_start3A_339 = tpu.memref_slice %arg5[%add3A_335] : memref<25600xi32, #tpu.memory_space<vmem>> -> memref<72xi32, #tpu.memory_space<vmem>>
        %dma_start3A_340 = arith.constant 0 : i32
        %dma_start3A_341 = arith.constant 0 : i32
        %dma_start3A_342 = tpu.memref_slice %arg3[%dma_start3A_340, %dma_start3A_341] : memref<100000x64xf32, #tpu.memory_space<hbm>> -> memref<100000x64xf32, #tpu.memory_space<hbm>>
        tpu.enqueue_indirect_dma source(%dma_start3A_342 : memref<100000x64xf32, #tpu.memory_space<hbm>>) target(%dma_start3A_338 : memref<72x64xf32, #tpu.memory_space<vmem>>) offsets(%dma_start3A_339 : memref<72xi32, #tpu.memory_space<vmem>>) semaphore(%arg14 : memref<!tpu.dma_semaphore, #tpu.memory_space<semaphore_mem>>)
      } else {
      }
      %broadcast_in_dim3A = arith.constant 0.000000e+00 : f32
      %broadcast_in_dim3A_98 = vector.broadcast %broadcast_in_dim3A : f32 to vector<16xf32>
      %scan3A_99 = arith.constant 0 : i32
      %scan3A_100 = arith.constant 50 : i32
      %scan3A_101 = arith.addi %scan3A_99, %scan3A_100 : i32
      %scan3A_102 = arith.constant 1 : i32
      %scan3A_103:4 = scf.for %scan3A_314 = %scan3A_99 to %scan3A_101 step %scan3A_102 iter_args(%scan3A_315 = %broadcast_in_dim3A_98, %scan3A_316 = %broadcast_in_dim3A_98, %scan3A_317 = %broadcast_in_dim3A_98, %scan3A_318 = %broadcast_in_dim3A_98) -> (vector<16xf32>, vector<16xf32>, vector<16xf32>, vector<16xf32>)  : i32 {
        %mul3A_319 = arith.constant 4 : i32
        %mul3A_320 = arith.muli %scan3A_314, %mul3A_319 : i32
        %add3A_321 = arith.constant 0 : i32
        %add3A_322 = arith.addi %mul3A_320, %add3A_321 : i32
        %get3A = arith.index_cast %add3A_322 : i32 to index
        %get3A_323 = arith.constant 0 : index
        %get3A_324 = tpu.vector_load %arg6[%get3A, %get3A_323] {strides = array<i32>} : memref<200x64xf32, #tpu.memory_space<vmem>>, vector<1x16xf32>,
        %get3A_325 = vector.shape_cast %get3A_324 : vector<1x16xf32> to vector<16xf32>
        %add3A_326 = arith.addf %scan3A_315, %get3A_325 : vector<16xf32>
        %get3A_327 = arith.index_cast %add3A_322 : i32 to index
        %get3A_328 = arith.constant 16 : index
        %get3A_329 = tpu.vector_load %arg6[%get3A_327, %get3A_328] {strides = array<i32>} : memref<200x64xf32, #tpu.memory_space<vmem>>, vector<1x16xf32>,
        %get3A_330 = vector.shape_cast %get3A_329 : vector<1x16xf32> to vector<16xf32>
        %add3A_331 = arith.addf %scan3A_316, %get3A_330 : vector<16xf32>
        %get3A_332 = arith.index_cast %add3A_322 : i32 to index
        %get3A_333 = arith.constant 32 : index
        %get3A_334 = tpu.vector_load %arg6[%get3A_332, %get3A_333] {strides = array<i32>} : memref<200x64xf32, #tpu.memory_space<vmem>>, vector<1x16xf32>,
        %get3A_335 = vector.shape_cast %get3A_334 : vector<1x16xf32> to vector<16xf32>
        %add3A_336 = arith.addf %scan3A_317, %get3A_335 : vector<16xf32>
        %get3A_337 = arith.index_cast %add3A_322 : i32 to index
        %get3A_338 = arith.constant 48 : index
        %get3A_339 = tpu.vector_load %arg6[%get3A_337, %get3A_338] {strides = array<i32>} : memref<200x64xf32, #tpu.memory_space<vmem>>, vector<1x16xf32>,
        %get3A_340 = vector.shape_cast %get3A_339 : vector<1x16xf32> to vector<16xf32>
        %add3A_341 = arith.addf %scan3A_318, %get3A_340 : vector<16xf32>
        %mul3A_342 = arith.constant 4 : i32
        %mul3A_343 = arith.muli %scan3A_314, %mul3A_342 : i32
        %add3A_344 = arith.constant 1 : i32
        %add3A_345 = arith.addi %mul3A_343, %add3A_344 : i32
        %get3A_346 = arith.index_cast %add3A_345 : i32 to index
        %get3A_347 = arith.constant 0 : index
        %get3A_348 = tpu.vector_load %arg6[%get3A_346, %get3A_347] {strides = array<i32>} : memref<200x64xf32, #tpu.memory_space<vmem>>, vector<1x16xf32>,
        %get3A_349 = vector.shape_cast %get3A_348 : vector<1x16xf32> to vector<16xf32>
        %add3A_350 = arith.addf %add3A_326, %get3A_349 : vector<16xf32>
        %get3A_351 = arith.index_cast %add3A_345 : i32 to index
        %get3A_352 = arith.constant 16 : index
        %get3A_353 = tpu.vector_load %arg6[%get3A_351, %get3A_352] {strides = array<i32>} : memref<200x64xf32, #tpu.memory_space<vmem>>, vector<1x16xf32>,
        %get3A_354 = vector.shape_cast %get3A_353 : vector<1x16xf32> to vector<16xf32>
        %add3A_355 = arith.addf %add3A_331, %get3A_354 : vector<16xf32>
        %get3A_356 = arith.index_cast %add3A_345 : i32 to index
        %get3A_357 = arith.constant 32 : index
        %get3A_358 = tpu.vector_load %arg6[%get3A_356, %get3A_357] {strides = array<i32>} : memref<200x64xf32, #tpu.memory_space<vmem>>, vector<1x16xf32>,
        %get3A_359 = vector.shape_cast %get3A_358 : vector<1x16xf32> to vector<16xf32>
        %add3A_360 = arith.addf %add3A_336, %get3A_359 : vector<16xf32>
        %get3A_361 = arith.index_cast %add3A_345 : i32 to index
        %get3A_362 = arith.constant 48 : index
        %get3A_363 = tpu.vector_load %arg6[%get3A_361, %get3A_362] {strides = array<i32>} : memref<200x64xf32, #tpu.memory_space<vmem>>, vector<1x16xf32>,
        %get3A_364 = vector.shape_cast %get3A_363 : vector<1x16xf32> to vector<16xf32>
        %add3A_365 = arith.addf %add3A_341, %get3A_364 : vector<16xf32>
        %mul3A_366 = arith.constant 4 : i32
        %mul3A_367 = arith.muli %scan3A_314, %mul3A_366 : i32
        %add3A_368 = arith.constant 2 : i32
        %add3A_369 = arith.addi %mul3A_367, %add3A_368 : i32
        %get3A_370 = arith.index_cast %add3A_369 : i32 to index
        %get3A_371 = arith.constant 0 : index
        %get3A_372 = tpu.vector_load %arg6[%get3A_370, %get3A_371] {strides = array<i32>} : memref<200x64xf32, #tpu.memory_space<vmem>>, vector<1x16xf32>,
        %get3A_373 = vector.shape_cast %get3A_372 : vector<1x16xf32> to vector<16xf32>
        %add3A_374 = arith.addf %add3A_350, %get3A_373 : vector<16xf32>
        %get3A_375 = arith.index_cast %add3A_369 : i32 to index
        %get3A_376 = arith.constant 16 : index
        %get3A_377 = tpu.vector_load %arg6[%get3A_375, %get3A_376] {strides = array<i32>} : memref<200x64xf32, #tpu.memory_space<vmem>>, vector<1x16xf32>,
        %get3A_378 = vector.shape_cast %get3A_377 : vector<1x16xf32> to vector<16xf32>
        %add3A_379 = arith.addf %add3A_355, %get3A_378 : vector<16xf32>
        %get3A_380 = arith.index_cast %add3A_369 : i32 to index
        %get3A_381 = arith.constant 32 : index
        %get3A_382 = tpu.vector_load %arg6[%get3A_380, %get3A_381] {strides = array<i32>} : memref<200x64xf32, #tpu.memory_space<vmem>>, vector<1x16xf32>,
        %get3A_383 = vector.shape_cast %get3A_382 : vector<1x16xf32> to vector<16xf32>
        %add3A_384 = arith.addf %add3A_360, %get3A_383 : vector<16xf32>
        %get3A_385 = arith.index_cast %add3A_369 : i32 to index
        %get3A_386 = arith.constant 48 : index
        %get3A_387 = tpu.vector_load %arg6[%get3A_385, %get3A_386] {strides = array<i32>} : memref<200x64xf32, #tpu.memory_space<vmem>>, vector<1x16xf32>,
        %get3A_388 = vector.shape_cast %get3A_387 : vector<1x16xf32> to vector<16xf32>
        %add3A_389 = arith.addf %add3A_365, %get3A_388 : vector<16xf32>
        %mul3A_390 = arith.constant 4 : i32
        %mul3A_391 = arith.muli %scan3A_314, %mul3A_390 : i32
        %add3A_392 = arith.constant 3 : i32
        %add3A_393 = arith.addi %mul3A_391, %add3A_392 : i32
        %get3A_394 = arith.index_cast %add3A_393 : i32 to index
        %get3A_395 = arith.constant 0 : index
        %get3A_396 = tpu.vector_load %arg6[%get3A_394, %get3A_395] {strides = array<i32>} : memref<200x64xf32, #tpu.memory_space<vmem>>, vector<1x16xf32>,
        %get3A_397 = vector.shape_cast %get3A_396 : vector<1x16xf32> to vector<16xf32>
        %add3A_398 = arith.addf %add3A_374, %get3A_397 : vector<16xf32>
        %get3A_399 = arith.index_cast %add3A_393 : i32 to index
        %get3A_400 = arith.constant 16 : index
        %get3A_401 = tpu.vector_load %arg6[%get3A_399, %get3A_400] {strides = array<i32>} : memref<200x64xf32, #tpu.memory_space<vmem>>, vector<1x16xf32>,
        %get3A_402 = vector.shape_cast %get3A_401 : vector<1x16xf32> to vector<16xf32>
        %add3A_403 = arith.addf %add3A_379, %get3A_402 : vector<16xf32>
        %get3A_404 = arith.index_cast %add3A_393 : i32 to index
        %get3A_405 = arith.constant 32 : index
        %get3A_406 = tpu.vector_load %arg6[%get3A_404, %get3A_405] {strides = array<i32>} : memref<200x64xf32, #tpu.memory_space<vmem>>, vector<1x16xf32>,
        %get3A_407 = vector.shape_cast %get3A_406 : vector<1x16xf32> to vector<16xf32>
        %add3A_408 = arith.addf %add3A_384, %get3A_407 : vector<16xf32>
        %get3A_409 = arith.index_cast %add3A_393 : i32 to index
        %get3A_410 = arith.constant 48 : index
        %get3A_411 = tpu.vector_load %arg6[%get3A_409, %get3A_410] {strides = array<i32>} : memref<200x64xf32, #tpu.memory_space<vmem>>, vector<1x16xf32>,
        %get3A_412 = vector.shape_cast %get3A_411 : vector<1x16xf32> to vector<16xf32>
        %add3A_413 = arith.addf %add3A_389, %get3A_412 : vector<16xf32>
        scf.yield %add3A_398, %add3A_403, %add3A_408, %add3A_413 : vector<16xf32>, vector<16xf32>, vector<16xf32>, vector<16xf32>
      }
      %scan3A_104 = arith.constant 50 : i32
      %mul3A_105 = arith.constant 5.000000e-03 : f32
      %mul3A_106 = vector.broadcast %mul3A_105 : f32 to vector<16xf32>
      %mul3A_107 = arith.mulf %scan3A_103#0, %mul3A_106 : vector<16xf32>
      %swap3A = arith.index_cast %add3A_87 : i32 to index
      %swap3A_108 = arith.constant 0 : index
      %swap3A_109 = tpu.vector_load %arg10[%swap3A, %swap3A_108] {strides = array<i32>} : memref<128x64xf32, #tpu.memory_space<vmem>>, vector<1x16xf32>,
      %swap3A_110 = vector.shape_cast %swap3A_109 : vector<1x16xf32> to vector<16xf32>
      %swap3A_111 = vector.shape_cast %mul3A_107 : vector<16xf32> to vector<1x16xf32>
      tpu.vector_store %arg10[%swap3A, %swap3A_108], %swap3A_111 {strides = array<i32>} : memref<128x64xf32, #tpu.memory_space<vmem>>, vector<1x16xf32>,
      %mul3A_112 = arith.constant 5.000000e-03 : f32
      %mul3A_113 = vector.broadcast %mul3A_112 : f32 to vector<16xf32>
      %mul3A_114 = arith.mulf %scan3A_103#1, %mul3A_113 : vector<16xf32>
      %swap3A_115 = arith.index_cast %add3A_87 : i32 to index
      %swap3A_116 = arith.constant 16 : index
      %swap3A_117 = tpu.vector_load %arg10[%swap3A_115, %swap3A_116] {strides = array<i32>} : memref<128x64xf32, #tpu.memory_space<vmem>>, vector<1x16xf32>,
      %swap3A_118 = vector.shape_cast %swap3A_117 : vector<1x16xf32> to vector<16xf32>
      %swap3A_119 = vector.shape_cast %mul3A_114 : vector<16xf32> to vector<1x16xf32>
      tpu.vector_store %arg10[%swap3A_115, %swap3A_116], %swap3A_119 {strides = array<i32>} : memref<128x64xf32, #tpu.memory_space<vmem>>, vector<1x16xf32>,
      %mul3A_120 = arith.constant 5.000000e-03 : f32
      %mul3A_121 = vector.broadcast %mul3A_120 : f32 to vector<16xf32>
      %mul3A_122 = arith.mulf %scan3A_103#2, %mul3A_121 : vector<16xf32>
      %swap3A_123 = arith.index_cast %add3A_87 : i32 to index
      %swap3A_124 = arith.constant 32 : index
      %swap3A_125 = tpu.vector_load %arg10[%swap3A_123, %swap3A_124] {strides = array<i32>} : memref<128x64xf32, #tpu.memory_space<vmem>>, vector<1x16xf32>,
      %swap3A_126 = vector.shape_cast %swap3A_125 : vector<1x16xf32> to vector<16xf32>
      %swap3A_127 = vector.shape_cast %mul3A_122 : vector<16xf32> to vector<1x16xf32>
      tpu.vector_store %arg10[%swap3A_123, %swap3A_124], %swap3A_127 {strides = array<i32>} : memref<128x64xf32, #tpu.memory_space<vmem>>, vector<1x16xf32>,
      %mul3A_128 = arith.constant 5.000000e-03 : f32
      %mul3A_129 = vector.broadcast %mul3A_128 : f32 to vector<16xf32>
      %mul3A_130 = arith.mulf %scan3A_103#3, %mul3A_129 : vector<16xf32>
      %swap3A_131 = arith.index_cast %add3A_87 : i32 to index
      %swap3A_132 = arith.constant 48 : index
      %swap3A_133 = tpu.vector_load %arg10[%swap3A_131, %swap3A_132] {strides = array<i32>} : memref<128x64xf32, #tpu.memory_space<vmem>>, vector<1x16xf32>,
      %swap3A_134 = vector.shape_cast %swap3A_133 : vector<1x16xf32> to vector<16xf32>
      %swap3A_135 = vector.shape_cast %mul3A_130 : vector<16xf32> to vector<1x16xf32>
      tpu.vector_store %arg10[%swap3A_131, %swap3A_132], %swap3A_135 {strides = array<i32>} : memref<128x64xf32, #tpu.memory_space<vmem>>, vector<1x16xf32>,
      %mul3A_136 = arith.constant 4 : i32
      %mul3A_137 = arith.muli %scan3A_82, %mul3A_136 : i32
      %add3A_138 = arith.constant 1 : i32
      %add3A_139 = arith.addi %mul3A_137, %add3A_138 : i32
      %dma_wait3A_140 = arith.constant 0 : i32
      %dma_wait3A_141 = arith.constant 0 : i32
      %dma_wait3A_142 = tpu.memref_slice %arg3[%dma_wait3A_140, %dma_wait3A_141] : memref<100000x64xf32, #tpu.memory_space<hbm>> -> memref<200x64xf32, #tpu.memory_space<hbm>>
      %dma_wait3A_143 = arith.constant 0 : i32
      %dma_wait3A_144 = arith.constant 0 : i32
      %dma_wait3A_145 = tpu.memref_slice %arg3[%dma_wait3A_143, %dma_wait3A_144] : memref<100000x64xf32, #tpu.memory_space<hbm>> -> memref<200x64xf32, #tpu.memory_space<hbm>>
      tpu.wait_dma2 semaphore(%arg12 : memref<!tpu.dma_semaphore, #tpu.memory_space<semaphore_mem>>) src(%dma_wait3A_145 : memref<200x64xf32, #tpu.memory_space<hbm>>) dst(%arg7 : memref<200x64xf32, #tpu.memory_space<vmem>>)
      %add3A_146 = arith.constant 4 : i32
      %add3A_147 = arith.addi %add3A_139, %add3A_146 : i32
      %sub3A_148 = arith.constant 1 : i32
      %sub3A_149 = arith.subi %add3A_147, %sub3A_148 : i32
      %lt3A_150 = arith.constant 128 : i32
      %lt3A_151 = arith.cmpi slt, %sub3A_149, %lt3A_150 : i32
      %convert_element_type3A_152 = arith.extui %lt3A_151 : i1 to i32
      %cond3A_153 = arith.constant 0 : i32
      %cond3A_154 = arith.cmpi ne, %convert_element_type3A_152, %cond3A_153 : i32
      scf.if %cond3A_154 {
        %mul3A_314 = arith.constant 200 : i32
        %mul3A_315 = arith.muli %sub3A_149, %mul3A_314 : i32
        %add3A_316 = arith.constant 0 : i32
        %add3A_317 = arith.addi %mul3A_315, %add3A_316 : i32
        %dma_start3A_318 = arith.constant 0 : i32
        %dma_start3A_319 = arith.constant 0 : i32
        %dma_start3A_320 = tpu.memref_slice %arg6[%dma_start3A_318, %dma_start3A_319] : memref<200x64xf32, #tpu.memory_space<vmem>> -> memref<64x64xf32, #tpu.memory_space<vmem>>
        %dma_start3A_321 = tpu.memref_slice %arg5[%add3A_317] : memref<25600xi32, #tpu.memory_space<vmem>> -> memref<64xi32, #tpu.memory_space<vmem>>
        %dma_start3A_322 = arith.constant 0 : i32
        %dma_start3A_323 = arith.constant 0 : i32
        %dma_start3A_324 = tpu.memref_slice %arg3[%dma_start3A_322, %dma_start3A_323] : memref<100000x64xf32, #tpu.memory_space<hbm>> -> memref<100000x64xf32, #tpu.memory_space<hbm>>
        tpu.enqueue_indirect_dma source(%dma_start3A_324 : memref<100000x64xf32, #tpu.memory_space<hbm>>) target(%dma_start3A_320 : memref<64x64xf32, #tpu.memory_space<vmem>>) offsets(%dma_start3A_321 : memref<64xi32, #tpu.memory_space<vmem>>) semaphore(%arg11 : memref<!tpu.dma_semaphore, #tpu.memory_space<semaphore_mem>>)
        %add3A_325 = arith.constant 64 : i32
        %add3A_326 = arith.addi %mul3A_315, %add3A_325 : i32
        %dma_start3A_327 = arith.constant 64 : i32
        %dma_start3A_328 = arith.constant 0 : i32
        %dma_start3A_329 = tpu.memref_slice %arg6[%dma_start3A_327, %dma_start3A_328] : memref<200x64xf32, #tpu.memory_space<vmem>> -> memref<64x64xf32, #tpu.memory_space<vmem>>
        %dma_start3A_330 = tpu.memref_slice %arg5[%add3A_326] : memref<25600xi32, #tpu.memory_space<vmem>> -> memref<64xi32, #tpu.memory_space<vmem>>
        %dma_start3A_331 = arith.constant 0 : i32
        %dma_start3A_332 = arith.constant 0 : i32
        %dma_start3A_333 = tpu.memref_slice %arg3[%dma_start3A_331, %dma_start3A_332] : memref<100000x64xf32, #tpu.memory_space<hbm>> -> memref<100000x64xf32, #tpu.memory_space<hbm>>
        tpu.enqueue_indirect_dma source(%dma_start3A_333 : memref<100000x64xf32, #tpu.memory_space<hbm>>) target(%dma_start3A_329 : memref<64x64xf32, #tpu.memory_space<vmem>>) offsets(%dma_start3A_330 : memref<64xi32, #tpu.memory_space<vmem>>) semaphore(%arg11 : memref<!tpu.dma_semaphore, #tpu.memory_space<semaphore_mem>>)
        %add3A_334 = arith.constant 128 : i32
        %add3A_335 = arith.addi %mul3A_315, %add3A_334 : i32
        %dma_start3A_336 = arith.constant 128 : i32
        %dma_start3A_337 = arith.constant 0 : i32
        %dma_start3A_338 = tpu.memref_slice %arg6[%dma_start3A_336, %dma_start3A_337] : memref<200x64xf32, #tpu.memory_space<vmem>> -> memref<72x64xf32, #tpu.memory_space<vmem>>
        %dma_start3A_339 = tpu.memref_slice %arg5[%add3A_335] : memref<25600xi32, #tpu.memory_space<vmem>> -> memref<72xi32, #tpu.memory_space<vmem>>
        %dma_start3A_340 = arith.constant 0 : i32
        %dma_start3A_341 = arith.constant 0 : i32
        %dma_start3A_342 = tpu.memref_slice %arg3[%dma_start3A_340, %dma_start3A_341] : memref<100000x64xf32, #tpu.memory_space<hbm>> -> memref<100000x64xf32, #tpu.memory_space<hbm>>
        tpu.enqueue_indirect_dma source(%dma_start3A_342 : memref<100000x64xf32, #tpu.memory_space<hbm>>) target(%dma_start3A_338 : memref<72x64xf32, #tpu.memory_space<vmem>>) offsets(%dma_start3A_339 : memref<72xi32, #tpu.memory_space<vmem>>) semaphore(%arg11 : memref<!tpu.dma_semaphore, #tpu.memory_space<semaphore_mem>>)
      } else {
      }
      %broadcast_in_dim3A_155 = arith.constant 0.000000e+00 : f32
      %broadcast_in_dim3A_156 = vector.broadcast %broadcast_in_dim3A_155 : f32 to vector<16xf32>
      %scan3A_157 = arith.constant 0 : i32
      %scan3A_158 = arith.constant 50 : i32
      %scan3A_159 = arith.addi %scan3A_157, %scan3A_158 : i32
      %scan3A_160 = arith.constant 1 : i32
      %scan3A_161:4 = scf.for %scan3A_314 = %scan3A_157 to %scan3A_159 step %scan3A_160 iter_args(%scan3A_315 = %broadcast_in_dim3A_156, %scan3A_316 = %broadcast_in_dim3A_156, %scan3A_317 = %broadcast_in_dim3A_156, %scan3A_318 = %broadcast_in_dim3A_156) -> (vector<16xf32>, vector<16xf32>, vector<16xf32>, vector<16xf32>)  : i32 {
        %mul3A_319 = arith.constant 4 : i32
        %mul3A_320 = arith.muli %scan3A_314, %mul3A_319 : i32
        %add3A_321 = arith.constant 0 : i32
        %add3A_322 = arith.addi %mul3A_320, %add3A_321 : i32
        %get3A = arith.index_cast %add3A_322 : i32 to index
        %get3A_323 = arith.constant 0 : index
        %get3A_324 = tpu.vector_load %arg7[%get3A, %get3A_323] {strides = array<i32>} : memref<200x64xf32, #tpu.memory_space<vmem>>, vector<1x16xf32>,
        %get3A_325 = vector.shape_cast %get3A_324 : vector<1x16xf32> to vector<16xf32>
        %add3A_326 = arith.addf %scan3A_315, %get3A_325 : vector<16xf32>
        %get3A_327 = arith.index_cast %add3A_322 : i32 to index
        %get3A_328 = arith.constant 16 : index
        %get3A_329 = tpu.vector_load %arg7[%get3A_327, %get3A_328] {strides = array<i32>} : memref<200x64xf32, #tpu.memory_space<vmem>>, vector<1x16xf32>,
        %get3A_330 = vector.shape_cast %get3A_329 : vector<1x16xf32> to vector<16xf32>
        %add3A_331 = arith.addf %scan3A_316, %get3A_330 : vector<16xf32>
        %get3A_332 = arith.index_cast %add3A_322 : i32 to index
        %get3A_333 = arith.constant 32 : index
        %get3A_334 = tpu.vector_load %arg7[%get3A_332, %get3A_333] {strides = array<i32>} : memref<200x64xf32, #tpu.memory_space<vmem>>, vector<1x16xf32>,
        %get3A_335 = vector.shape_cast %get3A_334 : vector<1x16xf32> to vector<16xf32>
        %add3A_336 = arith.addf %scan3A_317, %get3A_335 : vector<16xf32>
        %get3A_337 = arith.index_cast %add3A_322 : i32 to index
        %get3A_338 = arith.constant 48 : index
        %get3A_339 = tpu.vector_load %arg7[%get3A_337, %get3A_338] {strides = array<i32>} : memref<200x64xf32, #tpu.memory_space<vmem>>, vector<1x16xf32>,
        %get3A_340 = vector.shape_cast %get3A_339 : vector<1x16xf32> to vector<16xf32>
        %add3A_341 = arith.addf %scan3A_318, %get3A_340 : vector<16xf32>
        %mul3A_342 = arith.constant 4 : i32
        %mul3A_343 = arith.muli %scan3A_314, %mul3A_342 : i32
        %add3A_344 = arith.constant 1 : i32
        %add3A_345 = arith.addi %mul3A_343, %add3A_344 : i32
        %get3A_346 = arith.index_cast %add3A_345 : i32 to index
        %get3A_347 = arith.constant 0 : index
        %get3A_348 = tpu.vector_load %arg7[%get3A_346, %get3A_347] {strides = array<i32>} : memref<200x64xf32, #tpu.memory_space<vmem>>, vector<1x16xf32>,
        %get3A_349 = vector.shape_cast %get3A_348 : vector<1x16xf32> to vector<16xf32>
        %add3A_350 = arith.addf %add3A_326, %get3A_349 : vector<16xf32>
        %get3A_351 = arith.index_cast %add3A_345 : i32 to index
        %get3A_352 = arith.constant 16 : index
        %get3A_353 = tpu.vector_load %arg7[%get3A_351, %get3A_352] {strides = array<i32>} : memref<200x64xf32, #tpu.memory_space<vmem>>, vector<1x16xf32>,
        %get3A_354 = vector.shape_cast %get3A_353 : vector<1x16xf32> to vector<16xf32>
        %add3A_355 = arith.addf %add3A_331, %get3A_354 : vector<16xf32>
        %get3A_356 = arith.index_cast %add3A_345 : i32 to index
        %get3A_357 = arith.constant 32 : index
        %get3A_358 = tpu.vector_load %arg7[%get3A_356, %get3A_357] {strides = array<i32>} : memref<200x64xf32, #tpu.memory_space<vmem>>, vector<1x16xf32>,
        %get3A_359 = vector.shape_cast %get3A_358 : vector<1x16xf32> to vector<16xf32>
        %add3A_360 = arith.addf %add3A_336, %get3A_359 : vector<16xf32>
        %get3A_361 = arith.index_cast %add3A_345 : i32 to index
        %get3A_362 = arith.constant 48 : index
        %get3A_363 = tpu.vector_load %arg7[%get3A_361, %get3A_362] {strides = array<i32>} : memref<200x64xf32, #tpu.memory_space<vmem>>, vector<1x16xf32>,
        %get3A_364 = vector.shape_cast %get3A_363 : vector<1x16xf32> to vector<16xf32>
        %add3A_365 = arith.addf %add3A_341, %get3A_364 : vector<16xf32>
        %mul3A_366 = arith.constant 4 : i32
        %mul3A_367 = arith.muli %scan3A_314, %mul3A_366 : i32
        %add3A_368 = arith.constant 2 : i32
        %add3A_369 = arith.addi %mul3A_367, %add3A_368 : i32
        %get3A_370 = arith.index_cast %add3A_369 : i32 to index
        %get3A_371 = arith.constant 0 : index
        %get3A_372 = tpu.vector_load %arg7[%get3A_370, %get3A_371] {strides = array<i32>} : memref<200x64xf32, #tpu.memory_space<vmem>>, vector<1x16xf32>,
        %get3A_373 = vector.shape_cast %get3A_372 : vector<1x16xf32> to vector<16xf32>
        %add3A_374 = arith.addf %add3A_350, %get3A_373 : vector<16xf32>
        %get3A_375 = arith.index_cast %add3A_369 : i32 to index
        %get3A_376 = arith.constant 16 : index
        %get3A_377 = tpu.vector_load %arg7[%get3A_375, %get3A_376] {strides = array<i32>} : memref<200x64xf32, #tpu.memory_space<vmem>>, vector<1x16xf32>,
        %get3A_378 = vector.shape_cast %get3A_377 : vector<1x16xf32> to vector<16xf32>
        %add3A_379 = arith.addf %add3A_355, %get3A_378 : vector<16xf32>
        %get3A_380 = arith.index_cast %add3A_369 : i32 to index
        %get3A_381 = arith.constant 32 : index
        %get3A_382 = tpu.vector_load %arg7[%get3A_380, %get3A_381] {strides = array<i32>} : memref<200x64xf32, #tpu.memory_space<vmem>>, vector<1x16xf32>,
        %get3A_383 = vector.shape_cast %get3A_382 : vector<1x16xf32> to vector<16xf32>
        %add3A_384 = arith.addf %add3A_360, %get3A_383 : vector<16xf32>
        %get3A_385 = arith.index_cast %add3A_369 : i32 to index
        %get3A_386 = arith.constant 48 : index
        %get3A_387 = tpu.vector_load %arg7[%get3A_385, %get3A_386] {strides = array<i32>} : memref<200x64xf32, #tpu.memory_space<vmem>>, vector<1x16xf32>,
        %get3A_388 = vector.shape_cast %get3A_387 : vector<1x16xf32> to vector<16xf32>
        %add3A_389 = arith.addf %add3A_365, %get3A_388 : vector<16xf32>
        %mul3A_390 = arith.constant 4 : i32
        %mul3A_391 = arith.muli %scan3A_314, %mul3A_390 : i32
        %add3A_392 = arith.constant 3 : i32
        %add3A_393 = arith.addi %mul3A_391, %add3A_392 : i32
        %get3A_394 = arith.index_cast %add3A_393 : i32 to index
        %get3A_395 = arith.constant 0 : index
        %get3A_396 = tpu.vector_load %arg7[%get3A_394, %get3A_395] {strides = array<i32>} : memref<200x64xf32, #tpu.memory_space<vmem>>, vector<1x16xf32>,
        %get3A_397 = vector.shape_cast %get3A_396 : vector<1x16xf32> to vector<16xf32>
        %add3A_398 = arith.addf %add3A_374, %get3A_397 : vector<16xf32>
        %get3A_399 = arith.index_cast %add3A_393 : i32 to index
        %get3A_400 = arith.constant 16 : index
        %get3A_401 = tpu.vector_load %arg7[%get3A_399, %get3A_400] {strides = array<i32>} : memref<200x64xf32, #tpu.memory_space<vmem>>, vector<1x16xf32>,
        %get3A_402 = vector.shape_cast %get3A_401 : vector<1x16xf32> to vector<16xf32>
        %add3A_403 = arith.addf %add3A_379, %get3A_402 : vector<16xf32>
        %get3A_404 = arith.index_cast %add3A_393 : i32 to index
        %get3A_405 = arith.constant 32 : index
        %get3A_406 = tpu.vector_load %arg7[%get3A_404, %get3A_405] {strides = array<i32>} : memref<200x64xf32, #tpu.memory_space<vmem>>, vector<1x16xf32>,
        %get3A_407 = vector.shape_cast %get3A_406 : vector<1x16xf32> to vector<16xf32>
        %add3A_408 = arith.addf %add3A_384, %get3A_407 : vector<16xf32>
        %get3A_409 = arith.index_cast %add3A_393 : i32 to index
        %get3A_410 = arith.constant 48 : index
        %get3A_411 = tpu.vector_load %arg7[%get3A_409, %get3A_410] {strides = array<i32>} : memref<200x64xf32, #tpu.memory_space<vmem>>, vector<1x16xf32>,
        %get3A_412 = vector.shape_cast %get3A_411 : vector<1x16xf32> to vector<16xf32>
        %add3A_413 = arith.addf %add3A_389, %get3A_412 : vector<16xf32>
        scf.yield %add3A_398, %add3A_403, %add3A_408, %add3A_413 : vector<16xf32>, vector<16xf32>, vector<16xf32>, vector<16xf32>
      }
      %scan3A_162 = arith.constant 50 : i32
      %mul3A_163 = arith.constant 5.000000e-03 : f32
      %mul3A_164 = vector.broadcast %mul3A_163 : f32 to vector<16xf32>
      %mul3A_165 = arith.mulf %scan3A_161#0, %mul3A_164 : vector<16xf32>
      %swap3A_166 = arith.index_cast %add3A_139 : i32 to index
      %swap3A_167 = arith.constant 0 : index
      %swap3A_168 = tpu.vector_load %arg10[%swap3A_166, %swap3A_167] {strides = array<i32>} : memref<128x64xf32, #tpu.memory_space<vmem>>, vector<1x16xf32>,
      %swap3A_169 = vector.shape_cast %swap3A_168 : vector<1x16xf32> to vector<16xf32>
      %swap3A_170 = vector.shape_cast %mul3A_165 : vector<16xf32> to vector<1x16xf32>
      tpu.vector_store %arg10[%swap3A_166, %swap3A_167], %swap3A_170 {strides = array<i32>} : memref<128x64xf32, #tpu.memory_space<vmem>>, vector<1x16xf32>,
      %mul3A_171 = arith.constant 5.000000e-03 : f32
      %mul3A_172 = vector.broadcast %mul3A_171 : f32 to vector<16xf32>
      %mul3A_173 = arith.mulf %scan3A_161#1, %mul3A_172 : vector<16xf32>
      %swap3A_174 = arith.index_cast %add3A_139 : i32 to index
      %swap3A_175 = arith.constant 16 : index
      %swap3A_176 = tpu.vector_load %arg10[%swap3A_174, %swap3A_175] {strides = array<i32>} : memref<128x64xf32, #tpu.memory_space<vmem>>, vector<1x16xf32>,
      %swap3A_177 = vector.shape_cast %swap3A_176 : vector<1x16xf32> to vector<16xf32>
      %swap3A_178 = vector.shape_cast %mul3A_173 : vector<16xf32> to vector<1x16xf32>
      tpu.vector_store %arg10[%swap3A_174, %swap3A_175], %swap3A_178 {strides = array<i32>} : memref<128x64xf32, #tpu.memory_space<vmem>>, vector<1x16xf32>,
      %mul3A_179 = arith.constant 5.000000e-03 : f32
      %mul3A_180 = vector.broadcast %mul3A_179 : f32 to vector<16xf32>
      %mul3A_181 = arith.mulf %scan3A_161#2, %mul3A_180 : vector<16xf32>
      %swap3A_182 = arith.index_cast %add3A_139 : i32 to index
      %swap3A_183 = arith.constant 32 : index
      %swap3A_184 = tpu.vector_load %arg10[%swap3A_182, %swap3A_183] {strides = array<i32>} : memref<128x64xf32, #tpu.memory_space<vmem>>, vector<1x16xf32>,
      %swap3A_185 = vector.shape_cast %swap3A_184 : vector<1x16xf32> to vector<16xf32>
      %swap3A_186 = vector.shape_cast %mul3A_181 : vector<16xf32> to vector<1x16xf32>
      tpu.vector_store %arg10[%swap3A_182, %swap3A_183], %swap3A_186 {strides = array<i32>} : memref<128x64xf32, #tpu.memory_space<vmem>>, vector<1x16xf32>,
      %mul3A_187 = arith.constant 5.000000e-03 : f32
      %mul3A_188 = vector.broadcast %mul3A_187 : f32 to vector<16xf32>
      %mul3A_189 = arith.mulf %scan3A_161#3, %mul3A_188 : vector<16xf32>
      %swap3A_190 = arith.index_cast %add3A_139 : i32 to index
      %swap3A_191 = arith.constant 48 : index
      %swap3A_192 = tpu.vector_load %arg10[%swap3A_190, %swap3A_191] {strides = array<i32>} : memref<128x64xf32, #tpu.memory_space<vmem>>, vector<1x16xf32>,
      %swap3A_193 = vector.shape_cast %swap3A_192 : vector<1x16xf32> to vector<16xf32>
      %swap3A_194 = vector.shape_cast %mul3A_189 : vector<16xf32> to vector<1x16xf32>
      tpu.vector_store %arg10[%swap3A_190, %swap3A_191], %swap3A_194 {strides = array<i32>} : memref<128x64xf32, #tpu.memory_space<vmem>>, vector<1x16xf32>,
      %mul3A_195 = arith.constant 4 : i32
      %mul3A_196 = arith.muli %scan3A_82, %mul3A_195 : i32
      %add3A_197 = arith.constant 2 : i32
      %add3A_198 = arith.addi %mul3A_196, %add3A_197 : i32
      %dma_wait3A_199 = arith.constant 0 : i32
      %dma_wait3A_200 = arith.constant 0 : i32
      %dma_wait3A_201 = tpu.memref_slice %arg3[%dma_wait3A_199, %dma_wait3A_200] : memref<100000x64xf32, #tpu.memory_space<hbm>> -> memref<200x64xf32, #tpu.memory_space<hbm>>
      %dma_wait3A_202 = arith.constant 0 : i32
      %dma_wait3A_203 = arith.constant 0 : i32
      %dma_wait3A_204 = tpu.memref_slice %arg3[%dma_wait3A_202, %dma_wait3A_203] : memref<100000x64xf32, #tpu.memory_space<hbm>> -> memref<200x64xf32, #tpu.memory_space<hbm>>
      tpu.wait_dma2 semaphore(%arg13 : memref<!tpu.dma_semaphore, #tpu.memory_space<semaphore_mem>>) src(%dma_wait3A_204 : memref<200x64xf32, #tpu.memory_space<hbm>>) dst(%arg8 : memref<200x64xf32, #tpu.memory_space<vmem>>)
      %add3A_205 = arith.constant 4 : i32
      %add3A_206 = arith.addi %add3A_198, %add3A_205 : i32
      %sub3A_207 = arith.constant 1 : i32
      %sub3A_208 = arith.subi %add3A_206, %sub3A_207 : i32
      %lt3A_209 = arith.constant 128 : i32
      %lt3A_210 = arith.cmpi slt, %sub3A_208, %lt3A_209 : i32
      %convert_element_type3A_211 = arith.extui %lt3A_210 : i1 to i32
      %cond3A_212 = arith.constant 0 : i32
      %cond3A_213 = arith.cmpi ne, %convert_element_type3A_211, %cond3A_212 : i32
      scf.if %cond3A_213 {
        %mul3A_314 = arith.constant 200 : i32
        %mul3A_315 = arith.muli %sub3A_208, %mul3A_314 : i32
        %add3A_316 = arith.constant 0 : i32
        %add3A_317 = arith.addi %mul3A_315, %add3A_316 : i32
        %dma_start3A_318 = arith.constant 0 : i32
        %dma_start3A_319 = arith.constant 0 : i32
        %dma_start3A_320 = tpu.memref_slice %arg7[%dma_start3A_318, %dma_start3A_319] : memref<200x64xf32, #tpu.memory_space<vmem>> -> memref<64x64xf32, #tpu.memory_space<vmem>>
        %dma_start3A_321 = tpu.memref_slice %arg5[%add3A_317] : memref<25600xi32, #tpu.memory_space<vmem>> -> memref<64xi32, #tpu.memory_space<vmem>>
        %dma_start3A_322 = arith.constant 0 : i32
        %dma_start3A_323 = arith.constant 0 : i32
        %dma_start3A_324 = tpu.memref_slice %arg3[%dma_start3A_322, %dma_start3A_323] : memref<100000x64xf32, #tpu.memory_space<hbm>> -> memref<100000x64xf32, #tpu.memory_space<hbm>>
        tpu.enqueue_indirect_dma source(%dma_start3A_324 : memref<100000x64xf32, #tpu.memory_space<hbm>>) target(%dma_start3A_320 : memref<64x64xf32, #tpu.memory_space<vmem>>) offsets(%dma_start3A_321 : memref<64xi32, #tpu.memory_space<vmem>>) semaphore(%arg12 : memref<!tpu.dma_semaphore, #tpu.memory_space<semaphore_mem>>)
        %add3A_325 = arith.constant 64 : i32
        %add3A_326 = arith.addi %mul3A_315, %add3A_325 : i32
        %dma_start3A_327 = arith.constant 64 : i32
        %dma_start3A_328 = arith.constant 0 : i32
        %dma_start3A_329 = tpu.memref_slice %arg7[%dma_start3A_327, %dma_start3A_328] : memref<200x64xf32, #tpu.memory_space<vmem>> -> memref<64x64xf32, #tpu.memory_space<vmem>>
        %dma_start3A_330 = tpu.memref_slice %arg5[%add3A_326] : memref<25600xi32, #tpu.memory_space<vmem>> -> memref<64xi32, #tpu.memory_space<vmem>>
        %dma_start3A_331 = arith.constant 0 : i32
        %dma_start3A_332 = arith.constant 0 : i32
        %dma_start3A_333 = tpu.memref_slice %arg3[%dma_start3A_331, %dma_start3A_332] : memref<100000x64xf32, #tpu.memory_space<hbm>> -> memref<100000x64xf32, #tpu.memory_space<hbm>>
        tpu.enqueue_indirect_dma source(%dma_start3A_333 : memref<100000x64xf32, #tpu.memory_space<hbm>>) target(%dma_start3A_329 : memref<64x64xf32, #tpu.memory_space<vmem>>) offsets(%dma_start3A_330 : memref<64xi32, #tpu.memory_space<vmem>>) semaphore(%arg12 : memref<!tpu.dma_semaphore, #tpu.memory_space<semaphore_mem>>)
        %add3A_334 = arith.constant 128 : i32
        %add3A_335 = arith.addi %mul3A_315, %add3A_334 : i32
        %dma_start3A_336 = arith.constant 128 : i32
        %dma_start3A_337 = arith.constant 0 : i32
        %dma_start3A_338 = tpu.memref_slice %arg7[%dma_start3A_336, %dma_start3A_337] : memref<200x64xf32, #tpu.memory_space<vmem>> -> memref<72x64xf32, #tpu.memory_space<vmem>>
        %dma_start3A_339 = tpu.memref_slice %arg5[%add3A_335] : memref<25600xi32, #tpu.memory_space<vmem>> -> memref<72xi32, #tpu.memory_space<vmem>>
        %dma_start3A_340 = arith.constant 0 : i32
        %dma_start3A_341 = arith.constant 0 : i32
        %dma_start3A_342 = tpu.memref_slice %arg3[%dma_start3A_340, %dma_start3A_341] : memref<100000x64xf32, #tpu.memory_space<hbm>> -> memref<100000x64xf32, #tpu.memory_space<hbm>>
        tpu.enqueue_indirect_dma source(%dma_start3A_342 : memref<100000x64xf32, #tpu.memory_space<hbm>>) target(%dma_start3A_338 : memref<72x64xf32, #tpu.memory_space<vmem>>) offsets(%dma_start3A_339 : memref<72xi32, #tpu.memory_space<vmem>>) semaphore(%arg12 : memref<!tpu.dma_semaphore, #tpu.memory_space<semaphore_mem>>)
      } else {
      }
      %broadcast_in_dim3A_214 = arith.constant 0.000000e+00 : f32
      %broadcast_in_dim3A_215 = vector.broadcast %broadcast_in_dim3A_214 : f32 to vector<16xf32>
      %scan3A_216 = arith.constant 0 : i32
      %scan3A_217 = arith.constant 50 : i32
      %scan3A_218 = arith.addi %scan3A_216, %scan3A_217 : i32
      %scan3A_219 = arith.constant 1 : i32
      %scan3A_220:4 = scf.for %scan3A_314 = %scan3A_216 to %scan3A_218 step %scan3A_219 iter_args(%scan3A_315 = %broadcast_in_dim3A_215, %scan3A_316 = %broadcast_in_dim3A_215, %scan3A_317 = %broadcast_in_dim3A_215, %scan3A_318 = %broadcast_in_dim3A_215) -> (vector<16xf32>, vector<16xf32>, vector<16xf32>, vector<16xf32>)  : i32 {
        %mul3A_319 = arith.constant 4 : i32
        %mul3A_320 = arith.muli %scan3A_314, %mul3A_319 : i32
        %add3A_321 = arith.constant 0 : i32
        %add3A_322 = arith.addi %mul3A_320, %add3A_321 : i32
        %get3A = arith.index_cast %add3A_322 : i32 to index
        %get3A_323 = arith.constant 0 : index
        %get3A_324 = tpu.vector_load %arg8[%get3A, %get3A_323] {strides = array<i32>} : memref<200x64xf32, #tpu.memory_space<vmem>>, vector<1x16xf32>,
        %get3A_325 = vector.shape_cast %get3A_324 : vector<1x16xf32> to vector<16xf32>
        %add3A_326 = arith.addf %scan3A_315, %get3A_325 : vector<16xf32>
        %get3A_327 = arith.index_cast %add3A_322 : i32 to index
        %get3A_328 = arith.constant 16 : index
        %get3A_329 = tpu.vector_load %arg8[%get3A_327, %get3A_328] {strides = array<i32>} : memref<200x64xf32, #tpu.memory_space<vmem>>, vector<1x16xf32>,
        %get3A_330 = vector.shape_cast %get3A_329 : vector<1x16xf32> to vector<16xf32>
        %add3A_331 = arith.addf %scan3A_316, %get3A_330 : vector<16xf32>
        %get3A_332 = arith.index_cast %add3A_322 : i32 to index
        %get3A_333 = arith.constant 32 : index
        %get3A_334 = tpu.vector_load %arg8[%get3A_332, %get3A_333] {strides = array<i32>} : memref<200x64xf32, #tpu.memory_space<vmem>>, vector<1x16xf32>,
        %get3A_335 = vector.shape_cast %get3A_334 : vector<1x16xf32> to vector<16xf32>
        %add3A_336 = arith.addf %scan3A_317, %get3A_335 : vector<16xf32>
        %get3A_337 = arith.index_cast %add3A_322 : i32 to index
        %get3A_338 = arith.constant 48 : index
        %get3A_339 = tpu.vector_load %arg8[%get3A_337, %get3A_338] {strides = array<i32>} : memref<200x64xf32, #tpu.memory_space<vmem>>, vector<1x16xf32>,
        %get3A_340 = vector.shape_cast %get3A_339 : vector<1x16xf32> to vector<16xf32>
        %add3A_341 = arith.addf %scan3A_318, %get3A_340 : vector<16xf32>
        %mul3A_342 = arith.constant 4 : i32
        %mul3A_343 = arith.muli %scan3A_314, %mul3A_342 : i32
        %add3A_344 = arith.constant 1 : i32
        %add3A_345 = arith.addi %mul3A_343, %add3A_344 : i32
        %get3A_346 = arith.index_cast %add3A_345 : i32 to index
        %get3A_347 = arith.constant 0 : index
        %get3A_348 = tpu.vector_load %arg8[%get3A_346, %get3A_347] {strides = array<i32>} : memref<200x64xf32, #tpu.memory_space<vmem>>, vector<1x16xf32>,
        %get3A_349 = vector.shape_cast %get3A_348 : vector<1x16xf32> to vector<16xf32>
        %add3A_350 = arith.addf %add3A_326, %get3A_349 : vector<16xf32>
        %get3A_351 = arith.index_cast %add3A_345 : i32 to index
        %get3A_352 = arith.constant 16 : index
        %get3A_353 = tpu.vector_load %arg8[%get3A_351, %get3A_352] {strides = array<i32>} : memref<200x64xf32, #tpu.memory_space<vmem>>, vector<1x16xf32>,
        %get3A_354 = vector.shape_cast %get3A_353 : vector<1x16xf32> to vector<16xf32>
        %add3A_355 = arith.addf %add3A_331, %get3A_354 : vector<16xf32>
        %get3A_356 = arith.index_cast %add3A_345 : i32 to index
        %get3A_357 = arith.constant 32 : index
        %get3A_358 = tpu.vector_load %arg8[%get3A_356, %get3A_357] {strides = array<i32>} : memref<200x64xf32, #tpu.memory_space<vmem>>, vector<1x16xf32>,
        %get3A_359 = vector.shape_cast %get3A_358 : vector<1x16xf32> to vector<16xf32>
        %add3A_360 = arith.addf %add3A_336, %get3A_359 : vector<16xf32>
        %get3A_361 = arith.index_cast %add3A_345 : i32 to index
        %get3A_362 = arith.constant 48 : index
        %get3A_363 = tpu.vector_load %arg8[%get3A_361, %get3A_362] {strides = array<i32>} : memref<200x64xf32, #tpu.memory_space<vmem>>, vector<1x16xf32>,
        %get3A_364 = vector.shape_cast %get3A_363 : vector<1x16xf32> to vector<16xf32>
        %add3A_365 = arith.addf %add3A_341, %get3A_364 : vector<16xf32>
        %mul3A_366 = arith.constant 4 : i32
        %mul3A_367 = arith.muli %scan3A_314, %mul3A_366 : i32
        %add3A_368 = arith.constant 2 : i32
        %add3A_369 = arith.addi %mul3A_367, %add3A_368 : i32
        %get3A_370 = arith.index_cast %add3A_369 : i32 to index
        %get3A_371 = arith.constant 0 : index
        %get3A_372 = tpu.vector_load %arg8[%get3A_370, %get3A_371] {strides = array<i32>} : memref<200x64xf32, #tpu.memory_space<vmem>>, vector<1x16xf32>,
        %get3A_373 = vector.shape_cast %get3A_372 : vector<1x16xf32> to vector<16xf32>
        %add3A_374 = arith.addf %add3A_350, %get3A_373 : vector<16xf32>
        %get3A_375 = arith.index_cast %add3A_369 : i32 to index
        %get3A_376 = arith.constant 16 : index
        %get3A_377 = tpu.vector_load %arg8[%get3A_375, %get3A_376] {strides = array<i32>} : memref<200x64xf32, #tpu.memory_space<vmem>>, vector<1x16xf32>,
        %get3A_378 = vector.shape_cast %get3A_377 : vector<1x16xf32> to vector<16xf32>
        %add3A_379 = arith.addf %add3A_355, %get3A_378 : vector<16xf32>
        %get3A_380 = arith.index_cast %add3A_369 : i32 to index
        %get3A_381 = arith.constant 32 : index
        %get3A_382 = tpu.vector_load %arg8[%get3A_380, %get3A_381] {strides = array<i32>} : memref<200x64xf32, #tpu.memory_space<vmem>>, vector<1x16xf32>,
        %get3A_383 = vector.shape_cast %get3A_382 : vector<1x16xf32> to vector<16xf32>
        %add3A_384 = arith.addf %add3A_360, %get3A_383 : vector<16xf32>
        %get3A_385 = arith.index_cast %add3A_369 : i32 to index
        %get3A_386 = arith.constant 48 : index
        %get3A_387 = tpu.vector_load %arg8[%get3A_385, %get3A_386] {strides = array<i32>} : memref<200x64xf32, #tpu.memory_space<vmem>>, vector<1x16xf32>,
        %get3A_388 = vector.shape_cast %get3A_387 : vector<1x16xf32> to vector<16xf32>
        %add3A_389 = arith.addf %add3A_365, %get3A_388 : vector<16xf32>
        %mul3A_390 = arith.constant 4 : i32
        %mul3A_391 = arith.muli %scan3A_314, %mul3A_390 : i32
        %add3A_392 = arith.constant 3 : i32
        %add3A_393 = arith.addi %mul3A_391, %add3A_392 : i32
        %get3A_394 = arith.index_cast %add3A_393 : i32 to index
        %get3A_395 = arith.constant 0 : index
        %get3A_396 = tpu.vector_load %arg8[%get3A_394, %get3A_395] {strides = array<i32>} : memref<200x64xf32, #tpu.memory_space<vmem>>, vector<1x16xf32>,
        %get3A_397 = vector.shape_cast %get3A_396 : vector<1x16xf32> to vector<16xf32>
        %add3A_398 = arith.addf %add3A_374, %get3A_397 : vector<16xf32>
        %get3A_399 = arith.index_cast %add3A_393 : i32 to index
        %get3A_400 = arith.constant 16 : index
        %get3A_401 = tpu.vector_load %arg8[%get3A_399, %get3A_400] {strides = array<i32>} : memref<200x64xf32, #tpu.memory_space<vmem>>, vector<1x16xf32>,
        %get3A_402 = vector.shape_cast %get3A_401 : vector<1x16xf32> to vector<16xf32>
        %add3A_403 = arith.addf %add3A_379, %get3A_402 : vector<16xf32>
        %get3A_404 = arith.index_cast %add3A_393 : i32 to index
        %get3A_405 = arith.constant 32 : index
        %get3A_406 = tpu.vector_load %arg8[%get3A_404, %get3A_405] {strides = array<i32>} : memref<200x64xf32, #tpu.memory_space<vmem>>, vector<1x16xf32>,
        %get3A_407 = vector.shape_cast %get3A_406 : vector<1x16xf32> to vector<16xf32>
        %add3A_408 = arith.addf %add3A_384, %get3A_407 : vector<16xf32>
        %get3A_409 = arith.index_cast %add3A_393 : i32 to index
        %get3A_410 = arith.constant 48 : index
        %get3A_411 = tpu.vector_load %arg8[%get3A_409, %get3A_410] {strides = array<i32>} : memref<200x64xf32, #tpu.memory_space<vmem>>, vector<1x16xf32>,
        %get3A_412 = vector.shape_cast %get3A_411 : vector<1x16xf32> to vector<16xf32>
        %add3A_413 = arith.addf %add3A_389, %get3A_412 : vector<16xf32>
        scf.yield %add3A_398, %add3A_403, %add3A_408, %add3A_413 : vector<16xf32>, vector<16xf32>, vector<16xf32>, vector<16xf32>
      }
      %scan3A_221 = arith.constant 50 : i32
      %mul3A_222 = arith.constant 5.000000e-03 : f32
      %mul3A_223 = vector.broadcast %mul3A_222 : f32 to vector<16xf32>
      %mul3A_224 = arith.mulf %scan3A_220#0, %mul3A_223 : vector<16xf32>
      %swap3A_225 = arith.index_cast %add3A_198 : i32 to index
      %swap3A_226 = arith.constant 0 : index
      %swap3A_227 = tpu.vector_load %arg10[%swap3A_225, %swap3A_226] {strides = array<i32>} : memref<128x64xf32, #tpu.memory_space<vmem>>, vector<1x16xf32>,
      %swap3A_228 = vector.shape_cast %swap3A_227 : vector<1x16xf32> to vector<16xf32>
      %swap3A_229 = vector.shape_cast %mul3A_224 : vector<16xf32> to vector<1x16xf32>
      tpu.vector_store %arg10[%swap3A_225, %swap3A_226], %swap3A_229 {strides = array<i32>} : memref<128x64xf32, #tpu.memory_space<vmem>>, vector<1x16xf32>,
      %mul3A_230 = arith.constant 5.000000e-03 : f32
      %mul3A_231 = vector.broadcast %mul3A_230 : f32 to vector<16xf32>
      %mul3A_232 = arith.mulf %scan3A_220#1, %mul3A_231 : vector<16xf32>
      %swap3A_233 = arith.index_cast %add3A_198 : i32 to index
      %swap3A_234 = arith.constant 16 : index
      %swap3A_235 = tpu.vector_load %arg10[%swap3A_233, %swap3A_234] {strides = array<i32>} : memref<128x64xf32, #tpu.memory_space<vmem>>, vector<1x16xf32>,
      %swap3A_236 = vector.shape_cast %swap3A_235 : vector<1x16xf32> to vector<16xf32>
      %swap3A_237 = vector.shape_cast %mul3A_232 : vector<16xf32> to vector<1x16xf32>
      tpu.vector_store %arg10[%swap3A_233, %swap3A_234], %swap3A_237 {strides = array<i32>} : memref<128x64xf32, #tpu.memory_space<vmem>>, vector<1x16xf32>,
      %mul3A_238 = arith.constant 5.000000e-03 : f32
      %mul3A_239 = vector.broadcast %mul3A_238 : f32 to vector<16xf32>
      %mul3A_240 = arith.mulf %scan3A_220#2, %mul3A_239 : vector<16xf32>
      %swap3A_241 = arith.index_cast %add3A_198 : i32 to index
      %swap3A_242 = arith.constant 32 : index
      %swap3A_243 = tpu.vector_load %arg10[%swap3A_241, %swap3A_242] {strides = array<i32>} : memref<128x64xf32, #tpu.memory_space<vmem>>, vector<1x16xf32>,
      %swap3A_244 = vector.shape_cast %swap3A_243 : vector<1x16xf32> to vector<16xf32>
      %swap3A_245 = vector.shape_cast %mul3A_240 : vector<16xf32> to vector<1x16xf32>
      tpu.vector_store %arg10[%swap3A_241, %swap3A_242], %swap3A_245 {strides = array<i32>} : memref<128x64xf32, #tpu.memory_space<vmem>>, vector<1x16xf32>,
      %mul3A_246 = arith.constant 5.000000e-03 : f32
      %mul3A_247 = vector.broadcast %mul3A_246 : f32 to vector<16xf32>
      %mul3A_248 = arith.mulf %scan3A_220#3, %mul3A_247 : vector<16xf32>
      %swap3A_249 = arith.index_cast %add3A_198 : i32 to index
      %swap3A_250 = arith.constant 48 : index
      %swap3A_251 = tpu.vector_load %arg10[%swap3A_249, %swap3A_250] {strides = array<i32>} : memref<128x64xf32, #tpu.memory_space<vmem>>, vector<1x16xf32>,
      %swap3A_252 = vector.shape_cast %swap3A_251 : vector<1x16xf32> to vector<16xf32>
      %swap3A_253 = vector.shape_cast %mul3A_248 : vector<16xf32> to vector<1x16xf32>
      tpu.vector_store %arg10[%swap3A_249, %swap3A_250], %swap3A_253 {strides = array<i32>} : memref<128x64xf32, #tpu.memory_space<vmem>>, vector<1x16xf32>,
      %mul3A_254 = arith.constant 4 : i32
      %mul3A_255 = arith.muli %scan3A_82, %mul3A_254 : i32
      %add3A_256 = arith.constant 3 : i32
      %add3A_257 = arith.addi %mul3A_255, %add3A_256 : i32
      %dma_wait3A_258 = arith.constant 0 : i32
      %dma_wait3A_259 = arith.constant 0 : i32
      %dma_wait3A_260 = tpu.memref_slice %arg3[%dma_wait3A_258, %dma_wait3A_259] : memref<100000x64xf32, #tpu.memory_space<hbm>> -> memref<200x64xf32, #tpu.memory_space<hbm>>
      %dma_wait3A_261 = arith.constant 0 : i32
      %dma_wait3A_262 = arith.constant 0 : i32
      %dma_wait3A_263 = tpu.memref_slice %arg3[%dma_wait3A_261, %dma_wait3A_262] : memref<100000x64xf32, #tpu.memory_space<hbm>> -> memref<200x64xf32, #tpu.memory_space<hbm>>
      tpu.wait_dma2 semaphore(%arg14 : memref<!tpu.dma_semaphore, #tpu.memory_space<semaphore_mem>>) src(%dma_wait3A_263 : memref<200x64xf32, #tpu.memory_space<hbm>>) dst(%arg9 : memref<200x64xf32, #tpu.memory_space<vmem>>)
      %add3A_264 = arith.constant 4 : i32
      %add3A_265 = arith.addi %add3A_257, %add3A_264 : i32
      %sub3A_266 = arith.constant 1 : i32
      %sub3A_267 = arith.subi %add3A_265, %sub3A_266 : i32
      %lt3A_268 = arith.constant 128 : i32
      %lt3A_269 = arith.cmpi slt, %sub3A_267, %lt3A_268 : i32
      %convert_element_type3A_270 = arith.extui %lt3A_269 : i1 to i32
      %cond3A_271 = arith.constant 0 : i32
      %cond3A_272 = arith.cmpi ne, %convert_element_type3A_270, %cond3A_271 : i32
      scf.if %cond3A_272 {
        %mul3A_314 = arith.constant 200 : i32
        %mul3A_315 = arith.muli %sub3A_267, %mul3A_314 : i32
        %add3A_316 = arith.constant 0 : i32
        %add3A_317 = arith.addi %mul3A_315, %add3A_316 : i32
        %dma_start3A_318 = arith.constant 0 : i32
        %dma_start3A_319 = arith.constant 0 : i32
        %dma_start3A_320 = tpu.memref_slice %arg8[%dma_start3A_318, %dma_start3A_319] : memref<200x64xf32, #tpu.memory_space<vmem>> -> memref<64x64xf32, #tpu.memory_space<vmem>>
        %dma_start3A_321 = tpu.memref_slice %arg5[%add3A_317] : memref<25600xi32, #tpu.memory_space<vmem>> -> memref<64xi32, #tpu.memory_space<vmem>>
        %dma_start3A_322 = arith.constant 0 : i32
        %dma_start3A_323 = arith.constant 0 : i32
        %dma_start3A_324 = tpu.memref_slice %arg3[%dma_start3A_322, %dma_start3A_323] : memref<100000x64xf32, #tpu.memory_space<hbm>> -> memref<100000x64xf32, #tpu.memory_space<hbm>>
        tpu.enqueue_indirect_dma source(%dma_start3A_324 : memref<100000x64xf32, #tpu.memory_space<hbm>>) target(%dma_start3A_320 : memref<64x64xf32, #tpu.memory_space<vmem>>) offsets(%dma_start3A_321 : memref<64xi32, #tpu.memory_space<vmem>>) semaphore(%arg13 : memref<!tpu.dma_semaphore, #tpu.memory_space<semaphore_mem>>)
        %add3A_325 = arith.constant 64 : i32
        %add3A_326 = arith.addi %mul3A_315, %add3A_325 : i32
        %dma_start3A_327 = arith.constant 64 : i32
        %dma_start3A_328 = arith.constant 0 : i32
        %dma_start3A_329 = tpu.memref_slice %arg8[%dma_start3A_327, %dma_start3A_328] : memref<200x64xf32, #tpu.memory_space<vmem>> -> memref<64x64xf32, #tpu.memory_space<vmem>>
        %dma_start3A_330 = tpu.memref_slice %arg5[%add3A_326] : memref<25600xi32, #tpu.memory_space<vmem>> -> memref<64xi32, #tpu.memory_space<vmem>>
        %dma_start3A_331 = arith.constant 0 : i32
        %dma_start3A_332 = arith.constant 0 : i32
        %dma_start3A_333 = tpu.memref_slice %arg3[%dma_start3A_331, %dma_start3A_332] : memref<100000x64xf32, #tpu.memory_space<hbm>> -> memref<100000x64xf32, #tpu.memory_space<hbm>>
        tpu.enqueue_indirect_dma source(%dma_start3A_333 : memref<100000x64xf32, #tpu.memory_space<hbm>>) target(%dma_start3A_329 : memref<64x64xf32, #tpu.memory_space<vmem>>) offsets(%dma_start3A_330 : memref<64xi32, #tpu.memory_space<vmem>>) semaphore(%arg13 : memref<!tpu.dma_semaphore, #tpu.memory_space<semaphore_mem>>)
        %add3A_334 = arith.constant 128 : i32
        %add3A_335 = arith.addi %mul3A_315, %add3A_334 : i32
        %dma_start3A_336 = arith.constant 128 : i32
        %dma_start3A_337 = arith.constant 0 : i32
        %dma_start3A_338 = tpu.memref_slice %arg8[%dma_start3A_336, %dma_start3A_337] : memref<200x64xf32, #tpu.memory_space<vmem>> -> memref<72x64xf32, #tpu.memory_space<vmem>>
        %dma_start3A_339 = tpu.memref_slice %arg5[%add3A_335] : memref<25600xi32, #tpu.memory_space<vmem>> -> memref<72xi32, #tpu.memory_space<vmem>>
        %dma_start3A_340 = arith.constant 0 : i32
        %dma_start3A_341 = arith.constant 0 : i32
        %dma_start3A_342 = tpu.memref_slice %arg3[%dma_start3A_340, %dma_start3A_341] : memref<100000x64xf32, #tpu.memory_space<hbm>> -> memref<100000x64xf32, #tpu.memory_space<hbm>>
        tpu.enqueue_indirect_dma source(%dma_start3A_342 : memref<100000x64xf32, #tpu.memory_space<hbm>>) target(%dma_start3A_338 : memref<72x64xf32, #tpu.memory_space<vmem>>) offsets(%dma_start3A_339 : memref<72xi32, #tpu.memory_space<vmem>>) semaphore(%arg13 : memref<!tpu.dma_semaphore, #tpu.memory_space<semaphore_mem>>)
      } else {
      }
      %broadcast_in_dim3A_273 = arith.constant 0.000000e+00 : f32
      %broadcast_in_dim3A_274 = vector.broadcast %broadcast_in_dim3A_273 : f32 to vector<16xf32>
      %scan3A_275 = arith.constant 0 : i32
      %scan3A_276 = arith.constant 50 : i32
      %scan3A_277 = arith.addi %scan3A_275, %scan3A_276 : i32
      %scan3A_278 = arith.constant 1 : i32
      %scan3A_279:4 = scf.for %scan3A_314 = %scan3A_275 to %scan3A_277 step %scan3A_278 iter_args(%scan3A_315 = %broadcast_in_dim3A_274, %scan3A_316 = %broadcast_in_dim3A_274, %scan3A_317 = %broadcast_in_dim3A_274, %scan3A_318 = %broadcast_in_dim3A_274) -> (vector<16xf32>, vector<16xf32>, vector<16xf32>, vector<16xf32>)  : i32 {
        %mul3A_319 = arith.constant 4 : i32
        %mul3A_320 = arith.muli %scan3A_314, %mul3A_319 : i32
        %add3A_321 = arith.constant 0 : i32
        %add3A_322 = arith.addi %mul3A_320, %add3A_321 : i32
        %get3A = arith.index_cast %add3A_322 : i32 to index
        %get3A_323 = arith.constant 0 : index
        %get3A_324 = tpu.vector_load %arg9[%get3A, %get3A_323] {strides = array<i32>} : memref<200x64xf32, #tpu.memory_space<vmem>>, vector<1x16xf32>,
        %get3A_325 = vector.shape_cast %get3A_324 : vector<1x16xf32> to vector<16xf32>
        %add3A_326 = arith.addf %scan3A_315, %get3A_325 : vector<16xf32>
        %get3A_327 = arith.index_cast %add3A_322 : i32 to index
        %get3A_328 = arith.constant 16 : index
        %get3A_329 = tpu.vector_load %arg9[%get3A_327, %get3A_328] {strides = array<i32>} : memref<200x64xf32, #tpu.memory_space<vmem>>, vector<1x16xf32>,
        %get3A_330 = vector.shape_cast %get3A_329 : vector<1x16xf32> to vector<16xf32>
        %add3A_331 = arith.addf %scan3A_316, %get3A_330 : vector<16xf32>
        %get3A_332 = arith.index_cast %add3A_322 : i32 to index
        %get3A_333 = arith.constant 32 : index
        %get3A_334 = tpu.vector_load %arg9[%get3A_332, %get3A_333] {strides = array<i32>} : memref<200x64xf32, #tpu.memory_space<vmem>>, vector<1x16xf32>,
        %get3A_335 = vector.shape_cast %get3A_334 : vector<1x16xf32> to vector<16xf32>
        %add3A_336 = arith.addf %scan3A_317, %get3A_335 : vector<16xf32>
        %get3A_337 = arith.index_cast %add3A_322 : i32 to index
        %get3A_338 = arith.constant 48 : index
        %get3A_339 = tpu.vector_load %arg9[%get3A_337, %get3A_338] {strides = array<i32>} : memref<200x64xf32, #tpu.memory_space<vmem>>, vector<1x16xf32>,
        %get3A_340 = vector.shape_cast %get3A_339 : vector<1x16xf32> to vector<16xf32>
        %add3A_341 = arith.addf %scan3A_318, %get3A_340 : vector<16xf32>
        %mul3A_342 = arith.constant 4 : i32
        %mul3A_343 = arith.muli %scan3A_314, %mul3A_342 : i32
        %add3A_344 = arith.constant 1 : i32
        %add3A_345 = arith.addi %mul3A_343, %add3A_344 : i32
        %get3A_346 = arith.index_cast %add3A_345 : i32 to index
        %get3A_347 = arith.constant 0 : index
        %get3A_348 = tpu.vector_load %arg9[%get3A_346, %get3A_347] {strides = array<i32>} : memref<200x64xf32, #tpu.memory_space<vmem>>, vector<1x16xf32>,
        %get3A_349 = vector.shape_cast %get3A_348 : vector<1x16xf32> to vector<16xf32>
        %add3A_350 = arith.addf %add3A_326, %get3A_349 : vector<16xf32>
        %get3A_351 = arith.index_cast %add3A_345 : i32 to index
        %get3A_352 = arith.constant 16 : index
        %get3A_353 = tpu.vector_load %arg9[%get3A_351, %get3A_352] {strides = array<i32>} : memref<200x64xf32, #tpu.memory_space<vmem>>, vector<1x16xf32>,
        %get3A_354 = vector.shape_cast %get3A_353 : vector<1x16xf32> to vector<16xf32>
        %add3A_355 = arith.addf %add3A_331, %get3A_354 : vector<16xf32>
        %get3A_356 = arith.index_cast %add3A_345 : i32 to index
        %get3A_357 = arith.constant 32 : index
        %get3A_358 = tpu.vector_load %arg9[%get3A_356, %get3A_357] {strides = array<i32>} : memref<200x64xf32, #tpu.memory_space<vmem>>, vector<1x16xf32>,
        %get3A_359 = vector.shape_cast %get3A_358 : vector<1x16xf32> to vector<16xf32>
        %add3A_360 = arith.addf %add3A_336, %get3A_359 : vector<16xf32>
        %get3A_361 = arith.index_cast %add3A_345 : i32 to index
        %get3A_362 = arith.constant 48 : index
        %get3A_363 = tpu.vector_load %arg9[%get3A_361, %get3A_362] {strides = array<i32>} : memref<200x64xf32, #tpu.memory_space<vmem>>, vector<1x16xf32>,
        %get3A_364 = vector.shape_cast %get3A_363 : vector<1x16xf32> to vector<16xf32>
        %add3A_365 = arith.addf %add3A_341, %get3A_364 : vector<16xf32>
        %mul3A_366 = arith.constant 4 : i32
        %mul3A_367 = arith.muli %scan3A_314, %mul3A_366 : i32
        %add3A_368 = arith.constant 2 : i32
        %add3A_369 = arith.addi %mul3A_367, %add3A_368 : i32
        %get3A_370 = arith.index_cast %add3A_369 : i32 to index
        %get3A_371 = arith.constant 0 : index
        %get3A_372 = tpu.vector_load %arg9[%get3A_370, %get3A_371] {strides = array<i32>} : memref<200x64xf32, #tpu.memory_space<vmem>>, vector<1x16xf32>,
        %get3A_373 = vector.shape_cast %get3A_372 : vector<1x16xf32> to vector<16xf32>
        %add3A_374 = arith.addf %add3A_350, %get3A_373 : vector<16xf32>
        %get3A_375 = arith.index_cast %add3A_369 : i32 to index
        %get3A_376 = arith.constant 16 : index
        %get3A_377 = tpu.vector_load %arg9[%get3A_375, %get3A_376] {strides = array<i32>} : memref<200x64xf32, #tpu.memory_space<vmem>>, vector<1x16xf32>,
        %get3A_378 = vector.shape_cast %get3A_377 : vector<1x16xf32> to vector<16xf32>
        %add3A_379 = arith.addf %add3A_355, %get3A_378 : vector<16xf32>
        %get3A_380 = arith.index_cast %add3A_369 : i32 to index
        %get3A_381 = arith.constant 32 : index
        %get3A_382 = tpu.vector_load %arg9[%get3A_380, %get3A_381] {strides = array<i32>} : memref<200x64xf32, #tpu.memory_space<vmem>>, vector<1x16xf32>,
        %get3A_383 = vector.shape_cast %get3A_382 : vector<1x16xf32> to vector<16xf32>
        %add3A_384 = arith.addf %add3A_360, %get3A_383 : vector<16xf32>
        %get3A_385 = arith.index_cast %add3A_369 : i32 to index
        %get3A_386 = arith.constant 48 : index
        %get3A_387 = tpu.vector_load %arg9[%get3A_385, %get3A_386] {strides = array<i32>} : memref<200x64xf32, #tpu.memory_space<vmem>>, vector<1x16xf32>,
        %get3A_388 = vector.shape_cast %get3A_387 : vector<1x16xf32> to vector<16xf32>
        %add3A_389 = arith.addf %add3A_365, %get3A_388 : vector<16xf32>
        %mul3A_390 = arith.constant 4 : i32
        %mul3A_391 = arith.muli %scan3A_314, %mul3A_390 : i32
        %add3A_392 = arith.constant 3 : i32
        %add3A_393 = arith.addi %mul3A_391, %add3A_392 : i32
        %get3A_394 = arith.index_cast %add3A_393 : i32 to index
        %get3A_395 = arith.constant 0 : index
        %get3A_396 = tpu.vector_load %arg9[%get3A_394, %get3A_395] {strides = array<i32>} : memref<200x64xf32, #tpu.memory_space<vmem>>, vector<1x16xf32>,
        %get3A_397 = vector.shape_cast %get3A_396 : vector<1x16xf32> to vector<16xf32>
        %add3A_398 = arith.addf %add3A_374, %get3A_397 : vector<16xf32>
        %get3A_399 = arith.index_cast %add3A_393 : i32 to index
        %get3A_400 = arith.constant 16 : index
        %get3A_401 = tpu.vector_load %arg9[%get3A_399, %get3A_400] {strides = array<i32>} : memref<200x64xf32, #tpu.memory_space<vmem>>, vector<1x16xf32>,
        %get3A_402 = vector.shape_cast %get3A_401 : vector<1x16xf32> to vector<16xf32>
        %add3A_403 = arith.addf %add3A_379, %get3A_402 : vector<16xf32>
        %get3A_404 = arith.index_cast %add3A_393 : i32 to index
        %get3A_405 = arith.constant 32 : index
        %get3A_406 = tpu.vector_load %arg9[%get3A_404, %get3A_405] {strides = array<i32>} : memref<200x64xf32, #tpu.memory_space<vmem>>, vector<1x16xf32>,
        %get3A_407 = vector.shape_cast %get3A_406 : vector<1x16xf32> to vector<16xf32>
        %add3A_408 = arith.addf %add3A_384, %get3A_407 : vector<16xf32>
        %get3A_409 = arith.index_cast %add3A_393 : i32 to index
        %get3A_410 = arith.constant 48 : index
        %get3A_411 = tpu.vector_load %arg9[%get3A_409, %get3A_410] {strides = array<i32>} : memref<200x64xf32, #tpu.memory_space<vmem>>, vector<1x16xf32>,
        %get3A_412 = vector.shape_cast %get3A_411 : vector<1x16xf32> to vector<16xf32>
        %add3A_413 = arith.addf %add3A_389, %get3A_412 : vector<16xf32>
        scf.yield %add3A_398, %add3A_403, %add3A_408, %add3A_413 : vector<16xf32>, vector<16xf32>, vector<16xf32>, vector<16xf32>
      }
      %scan3A_280 = arith.constant 50 : i32
      %mul3A_281 = arith.constant 5.000000e-03 : f32
      %mul3A_282 = vector.broadcast %mul3A_281 : f32 to vector<16xf32>
      %mul3A_283 = arith.mulf %scan3A_279#0, %mul3A_282 : vector<16xf32>
      %swap3A_284 = arith.index_cast %add3A_257 : i32 to index
      %swap3A_285 = arith.constant 0 : index
      %swap3A_286 = tpu.vector_load %arg10[%swap3A_284, %swap3A_285] {strides = array<i32>} : memref<128x64xf32, #tpu.memory_space<vmem>>, vector<1x16xf32>,
      %swap3A_287 = vector.shape_cast %swap3A_286 : vector<1x16xf32> to vector<16xf32>
      %swap3A_288 = vector.shape_cast %mul3A_283 : vector<16xf32> to vector<1x16xf32>
      tpu.vector_store %arg10[%swap3A_284, %swap3A_285], %swap3A_288 {strides = array<i32>} : memref<128x64xf32, #tpu.memory_space<vmem>>, vector<1x16xf32>,
      %mul3A_289 = arith.constant 5.000000e-03 : f32
      %mul3A_290 = vector.broadcast %mul3A_289 : f32 to vector<16xf32>
      %mul3A_291 = arith.mulf %scan3A_279#1, %mul3A_290 : vector<16xf32>
      %swap3A_292 = arith.index_cast %add3A_257 : i32 to index
      %swap3A_293 = arith.constant 16 : index
      %swap3A_294 = tpu.vector_load %arg10[%swap3A_292, %swap3A_293] {strides = array<i32>} : memref<128x64xf32, #tpu.memory_space<vmem>>, vector<1x16xf32>,
      %swap3A_295 = vector.shape_cast %swap3A_294 : vector<1x16xf32> to vector<16xf32>
      %swap3A_296 = vector.shape_cast %mul3A_291 : vector<16xf32> to vector<1x16xf32>
      tpu.vector_store %arg10[%swap3A_292, %swap3A_293], %swap3A_296 {strides = array<i32>} : memref<128x64xf32, #tpu.memory_space<vmem>>, vector<1x16xf32>,
      %mul3A_297 = arith.constant 5.000000e-03 : f32
      %mul3A_298 = vector.broadcast %mul3A_297 : f32 to vector<16xf32>
      %mul3A_299 = arith.mulf %scan3A_279#2, %mul3A_298 : vector<16xf32>
      %swap3A_300 = arith.index_cast %add3A_257 : i32 to index
      %swap3A_301 = arith.constant 32 : index
      %swap3A_302 = tpu.vector_load %arg10[%swap3A_300, %swap3A_301] {strides = array<i32>} : memref<128x64xf32, #tpu.memory_space<vmem>>, vector<1x16xf32>,
      %swap3A_303 = vector.shape_cast %swap3A_302 : vector<1x16xf32> to vector<16xf32>
      %swap3A_304 = vector.shape_cast %mul3A_299 : vector<16xf32> to vector<1x16xf32>
      tpu.vector_store %arg10[%swap3A_300, %swap3A_301], %swap3A_304 {strides = array<i32>} : memref<128x64xf32, #tpu.memory_space<vmem>>, vector<1x16xf32>,
      %mul3A_305 = arith.constant 5.000000e-03 : f32
      %mul3A_306 = vector.broadcast %mul3A_305 : f32 to vector<16xf32>
      %mul3A_307 = arith.mulf %scan3A_279#3, %mul3A_306 : vector<16xf32>
      %swap3A_308 = arith.index_cast %add3A_257 : i32 to index
      %swap3A_309 = arith.constant 48 : index
      %swap3A_310 = tpu.vector_load %arg10[%swap3A_308, %swap3A_309] {strides = array<i32>} : memref<128x64xf32, #tpu.memory_space<vmem>>, vector<1x16xf32>,
      %swap3A_311 = vector.shape_cast %swap3A_310 : vector<1x16xf32> to vector<16xf32>
      %swap3A_312 = vector.shape_cast %mul3A_307 : vector<16xf32> to vector<1x16xf32>
      tpu.vector_store %arg10[%swap3A_308, %swap3A_309], %swap3A_312 {strides = array<i32>} : memref<128x64xf32, #tpu.memory_space<vmem>>, vector<1x16xf32>,
      %scan3A_313 = arith.constant 0 : i32
      scf.yield %scan3A_313 : i32
    }
    %scan3A_81 = arith.constant 32 : i32
    "tpu.region"() ({
      %run_scoped3A = tpu.sem_alloc : memref<!tpu.dma_semaphore, #tpu.memory_space<semaphore_mem>>
      %dma_start3A_82 = arith.constant 0 : i32
      %dma_start3A_83 = tpu.memref_slice %arg4[%mul3A_2, %dma_start3A_82] : memref<4096x64xf32, #tpu.memory_space<hbm>> -> memref<128x64xf32, #tpu.memory_space<hbm>>
      %dma_start3A_84 = arith.constant 0 : i32
      %dma_start3A_85 = tpu.memref_slice %arg4[%mul3A_2, %dma_start3A_84] : memref<4096x64xf32, #tpu.memory_space<hbm>> -> memref<128x64xf32, #tpu.memory_space<hbm>>
      tpu.enqueue_dma source(%arg10 : memref<128x64xf32, #tpu.memory_space<vmem>>) target(%dma_start3A_85 : memref<128x64xf32, #tpu.memory_space<hbm>>) target_semaphore(%run_scoped3A : memref<!tpu.dma_semaphore, #tpu.memory_space<semaphore_mem>>)
      %dma_wait3A = arith.constant 0 : i32
      %dma_wait3A_86 = tpu.memref_slice %arg4[%mul3A_2, %dma_wait3A] : memref<4096x64xf32, #tpu.memory_space<hbm>> -> memref<128x64xf32, #tpu.memory_space<hbm>>
      %dma_wait3A_87 = arith.constant 0 : i32
      %dma_wait3A_88 = tpu.memref_slice %arg4[%mul3A_2, %dma_wait3A_87] : memref<4096x64xf32, #tpu.memory_space<hbm>> -> memref<128x64xf32, #tpu.memory_space<hbm>>
      tpu.wait_dma2 semaphore(%run_scoped3A : memref<!tpu.dma_semaphore, #tpu.memory_space<semaphore_mem>>) src(%arg10 : memref<128x64xf32, #tpu.memory_space<vmem>>) dst(%dma_wait3A_88 : memref<128x64xf32, #tpu.memory_space<hbm>>)
      tpu.yield
    }) : () -> ()
    return
  }
}

module attributes {stable_mosaic.version = 14 : i64} {
  func.func @_mlp_body(%arg0: memref<4096x64xf32, #tpu.memory_space<vmem>>, %arg1: memref<64x128xf32, #tpu.memory_space<vmem>>, %arg2: memref<1x128xf32, #tpu.memory_space<vmem>>, %arg3: memref<128x2xf32, #tpu.memory_space<vmem>>, %arg4: memref<1x2xf32, #tpu.memory_space<vmem>>, %arg5: memref<4096x2xf32, #tpu.memory_space<vmem>>) attributes {dimension_semantics = [], scalar_prefetch = 0 : i64, scratch_operands = 0 : i64, tpu.core_type = #tpu.core_type<tc>} {
    %get3A = arith.constant 0 : index
    %get3A_0 = arith.constant 0 : index
    %get3A_1 = vector.load %arg0[%get3A, %get3A_0] : memref<4096x64xf32, #tpu.memory_space<vmem>>, vector<4096x64xf32>
    %get3A_2 = arith.constant 0 : index
    %get3A_3 = arith.constant 0 : index
    %get3A_4 = vector.load %arg1[%get3A_2, %get3A_3] : memref<64x128xf32, #tpu.memory_space<vmem>>, vector<64x128xf32>
    %dot_general3A = arith.constant dense<0.000000e+00> : vector<4096x128xf32>
    %dot_general3A_5 = tpu.matmul %get3A_1, %get3A_4, %dot_general3A {dimension_numbers = #tpu.dot_dimension_numbers<[1], [0], [0], [1], [0, 0, 1, 1], [], []>, transpose_lhs_hint = false} : vector<4096x64xf32>, vector<64x128xf32>, vector<4096x128xf32> -> vector<4096x128xf32>
    %get3A_6 = arith.constant 0 : index
    %get3A_7 = arith.constant 0 : index
    %get3A_8 = vector.load %arg2[%get3A_6, %get3A_7] : memref<1x128xf32, #tpu.memory_space<vmem>>, vector<1x128xf32>
    %add3A = vector.broadcast %get3A_8 : vector<1x128xf32> to vector<4096x128xf32>
    %add3A_9 = arith.addf %dot_general3A_5, %add3A : vector<4096x128xf32>
    %max3A = arith.constant 0.000000e+00 : f32
    %max3A_10 = vector.broadcast %max3A : f32 to vector<4096x128xf32>
    %max3A_11 = arith.maximumf %add3A_9, %max3A_10 : vector<4096x128xf32>
    %get3A_12 = arith.constant 0 : index
    %get3A_13 = arith.constant 0 : index
    %get3A_14 = vector.load %arg3[%get3A_12, %get3A_13] : memref<128x2xf32, #tpu.memory_space<vmem>>, vector<128x2xf32>
    %dot_general3A_15 = arith.constant dense<0.000000e+00> : vector<4096x2xf32>
    %dot_general3A_16 = tpu.matmul %max3A_11, %get3A_14, %dot_general3A_15 {dimension_numbers = #tpu.dot_dimension_numbers<[1], [0], [0], [1], [0, 0, 1, 1], [], []>, transpose_lhs_hint = false} : vector<4096x128xf32>, vector<128x2xf32>, vector<4096x2xf32> -> vector<4096x2xf32>
    %get3A_17 = arith.constant 0 : index
    %get3A_18 = arith.constant 0 : index
    %get3A_19 = vector.load %arg4[%get3A_17, %get3A_18] : memref<1x2xf32, #tpu.memory_space<vmem>>, vector<1x2xf32>
    %add3A_20 = vector.broadcast %get3A_19 : vector<1x2xf32> to vector<4096x2xf32>
    %add3A_21 = arith.addf %dot_general3A_16, %add3A_20 : vector<4096x2xf32>
    %reduce_max3A = arith.constant dense<0xFF800000> : vector<4096xf32>
    %reduce_max3A_22 = vector.multi_reduction <maximumf>, %add3A_21, %reduce_max3A [1] : vector<4096x2xf32> to vector<4096xf32>
    %broadcast_in_dim3A = vector.shape_cast %reduce_max3A_22 : vector<4096xf32> to vector<4096x1xf32>
    %sub3A = vector.broadcast %broadcast_in_dim3A : vector<4096x1xf32> to vector<4096x2xf32>
    %sub3A_23 = arith.subf %add3A_21, %sub3A : vector<4096x2xf32>
    %exp3A = math.exp %sub3A_23 : vector<4096x2xf32>
    %reduce_sum3A = arith.constant dense<0.000000e+00> : vector<4096xf32>
    %reduce_sum3A_24 = vector.multi_reduction <add>, %exp3A, %reduce_sum3A [1] : vector<4096x2xf32> to vector<4096xf32>
    %broadcast_in_dim3A_25 = vector.shape_cast %reduce_sum3A_24 : vector<4096xf32> to vector<4096x1xf32>
    %log3A = math.log %broadcast_in_dim3A_25 : vector<4096x1xf32>
    %add3A_26 = arith.addf %log3A, %broadcast_in_dim3A : vector<4096x1xf32>
    %sub3A_27 = vector.broadcast %add3A_26 : vector<4096x1xf32> to vector<4096x2xf32>
    %sub3A_28 = arith.subf %add3A_21, %sub3A_27 : vector<4096x2xf32>
    %swap3A = arith.constant 0 : index
    %swap3A_29 = arith.constant 0 : index
    %swap3A_30 = vector.load %arg5[%swap3A, %swap3A_29] : memref<4096x2xf32, #tpu.memory_space<vmem>>, vector<4096x2xf32>
    tpu.vector_store %arg5[%swap3A, %swap3A_29], %sub3A_28 {strides = array<i32>} : memref<4096x2xf32, #tpu.memory_space<vmem>>, vector<4096x2xf32>,
    return
  }
}

</mosaic_0001>

<sc_bundles>
// kernel: kernel.4.cloned.1.call-start
scs
__scs_entry_jumppad:
0x0: {  	(pc) =	sbr.rel $0x88, $3  }
0x1: {  	(tag) =	ssettag $0x0;
	lr =	simm.s32 $0x1  }
0x2: {  	[smem:$0x3F9B] =	sst lr;
	_ =	strace $0xD0000000  }
0x3: {  	_ = 	snop  }
0x4: {  	_ = 	snop  }
0x5: {  	_ = 	snop  }
0x6: {  	_ = 	snop  }
0x7: {  	_ = 	snop  }
__scs_overlays_trampoline_lowered:
0x8: {  	[smem:$0x3FAA] =	sst s0  }
0x9: {  	[smem:$0x3FAB] =	sst s1  }
0xa: {  	[smem:$0x3FAC] =	sst s2  }
0xb: {  	[smem:$0x3FAD] =	sst s3  }
0xc: {  	[smem:$0x3FAE] =	sst s4  }
0xd: {  	[smem:$0x3FAF] =	sst s5  }
0xe: {  	[smem:$0x3FB0] =	sst s6  }
0xf: {  	[smem:$0x3FB1] =	sst s7  }
0x10: {  	[smem:$0x3FB2] =	sst s8  }
0x11: {  	[smem:$0x3FB3] =	sst s9;
	s0 =	simm.s32 @!p0 $0x0  }
0x12: {  	s1 =	sld [smem:$0x3F99];
	s0 =	simm.s32 @p0 $0x1  }
0x13: {  	[smem:$0x3FB4] =	sst s0;
	s0 =	simm.s32 @!p1 $0x0  }
0x14: {  	s2 =	sld [smem:$0x3F98];
	s0 =	simm.s32 @p1 $0x1  }
0x15: {  	[smem:$0x3FB5] =	sst s0;
	s0 =	simm.s32 @!p2 $0x0  }
0x16: {  	s3 =	sld [smem:$0x3FDB];
	s0 =	simm.s32 @p2 $0x1  }
0x17: {  	s4 =	simm.s32 $0x1BF5;
	[smem:$0x3FB7] =	sst s0  }
0x18: {  	s0 =	sld [smem:$0x3F9A];
	_ =	swait.ge [sflag:s4], $0x0  }
0x19: {  	s7 =	sld [smem:$0x3F9B]  }
0x1a: {  	s8 =	sadd.s32 $0xFFFFE003, lr  }
0x1b: {  	s9 =	sadd.s32 $0xFFFFFEF7, lr;
	s5 =	simm.s32 $0xFFFFFFFF;
	p2 =	slt.u32 s8, $0xFFFFF086  }
0x1c: {  	p1 =	slt.u32 s9, $0xF7A;
	s5 =	simm.s32 @!p2 $0x0  }
0x1d: {  	s5 =	simm.s32 @p1 $0x1;
	p0 =	seq.s32 s7, s2  }
0x1e: {  	s7 =	smul.u32 @!p0 $0xF7A, s2;
	p2 =	seq.s32 @!p0 s5, $0x0  }
0x1f: {  	s9 =	smul.u32 $0xF7A, s1;
	s8 =	simm.s32 @!p0 $0x1BF5;
	p2 =	por !p2, p0  }
0x20: {  	[sflag:s8] =	ssyncset.s32 @!p0 $0xFFFFF086;
	s6 =	sadd.s32 @!p0 s3, s7;
	s7 =	simm.s32 @!p0 $0x108  }
0x21: {  	s3 =	sadd.s32 s3, s9;
	s6 =	sadd.s32 @!p0 $0x88, s6;
	s7 =	simm.s32 @p2 $0x1082  }
0x22: {  	[simem:s7], [sflag:s8] =	dma.local @!p0 [hbm:s6], $0xF7A  }
0x23: {  	s9 =	sor.u32 $0xD0000000, s2;
	s6 =	simm.s32 $0x108;
	_ =	swait.ge @!p0 [sflag:s8], $0x0  }
0x24: {  	s3 =	sadd.s32 $0x88, s3;
	s6 =	simm.s32 @!p1 $0x1082;
	[sflag:s4] =	ssyncset.s32 $0xFFFFF086  }
0x25: {  	[simem:s6], [sflag:s4] =	dma.local [hbm:s3], $0xF7A  }
0x26: {  	[smem:$0x3F9B] =	sst s1;
	(tag) =	ssettag s2;
	_ =	strace s9  }
0x27: {  	s1 =	sld [smem:$0x3FAB]  }
0x28: {  	s2 =	sld [smem:$0x3FAC]  }
0x29: {  	s4 =	sld [smem:$0x3FAE]  }
0x2a: {  	p0 =	seq.s32 s5, $0x0;
	s5 =	sld [smem:$0x3FAF]  }
0x2b: {  	s6 =	sld [smem:$0x3FB0]  }
0x2c: {  	s7 =	sld [smem:$0x3FB1]  }
0x2d: {  	s3 =	simm.s32 $0x108;
	s8 =	sld [smem:$0x3FB2]  }
0x2e: {  	s3 =	simm.s32 @!p0 $0x1082;
	s9 =	sld [smem:$0x3FB3]  }
0x2f: {  	lr =	sadd.s32 s0, s3;
	s0 =	sld [smem:$0x3FAA]  }
0x30: {  	s3 =	sld [smem:$0x3FAD]  }
0x31: {  	[smem:$0x3FB6] =	sst s10  }
0x32: {  	s10 =	sld [smem:$0x3FB4];
	_ =	sdelay $0x3  }
0x33: {  	p0 =	seq.s32 s10, $0x1;
	s10 =	sld [smem:$0x3FB6];
	_ =	sdelay $0x3  }
0x34: {  	[smem:$0x3FB6] =	sst s10  }
0x35: {  	s10 =	sld [smem:$0x3FB5];
	_ =	sdelay $0x3  }
0x36: {  	p1 =	seq.s32 s10, $0x1;
	s10 =	sld [smem:$0x3FB6];
	_ =	sdelay $0x3  }
0x37: {  	[smem:$0x3FB6] =	sst s10  }
0x38: {  	s10 =	sld [smem:$0x3FB7]  }
0x39: {  	_ = 	snop;
	(pc) =	sbr.ind lr, $3  }
0x3a: {  	_ = 	snop  }
0x3b: {  	_ = 	snop  }
0x3c: {  	p2 =	seq.s32 s10, $0x1;
	s10 =	sld [smem:$0x3FB6]  }
0x3d: {  	_ =	shalt  }
0x3e: {  	_ =	shalt  }
0x3f: {  	_ =	shalt  }
0x40: {  	_ =	shalt  }
0x41: {  	_ =	shalt  }
0x42: {  	_ =	shalt  }
0x43: {  	_ =	shalt  }
0x44: {  	_ =	shalt  }
0x45: {  	_ =	shalt  }
0x46: {  	_ =	shalt  }
0x47: {  	_ =	shalt  }
0x48: {  	_ =	shalt  }
0x49: {  	_ =	shalt  }
0x4a: {  	_ =	shalt  }
0x4b: {  	_ =	shalt  }
0x4c: {  	_ =	shalt  }
0x4d: {  	_ =	shalt  }
0x4e: {  	_ =	shalt  }
0x4f: {  	_ =	shalt  }
0x50: {  	_ =	shalt  }
0x51: {  	_ =	shalt  }
0x52: {  	_ =	shalt  }
0x53: {  	_ =	shalt  }
0x54: {  	_ =	shalt  }
0x55: {  	_ =	shalt  }
0x56: {  	_ =	shalt  }
0x57: {  	_ =	shalt  }
0x58: {  	_ =	shalt  }
0x59: {  	_ =	shalt  }
0x5a: {  	_ =	shalt  }
0x5b: {  	_ =	shalt  }
0x5c: {  	_ =	shalt  }
0x5d: {  	_ =	shalt  }
0x5e: {  	_ =	shalt  }
0x5f: {  	_ =	shalt  }
0x60: {  	_ =	shalt  }
0x61: {  	_ =	shalt  }
0x62: {  	_ =	shalt  }
0x63: {  	_ =	shalt  }
0x64: {  	_ =	shalt  }
0x65: {  	_ =	shalt  }
0x66: {  	_ =	shalt  }
0x67: {  	_ =	shalt  }
0x68: {  	_ =	shalt  }
0x69: {  	_ =	shalt  }
0x6a: {  	_ =	shalt  }
0x6b: {  	_ =	shalt  }
0x6c: {  	_ =	shalt  }
0x6d: {  	_ =	shalt  }
0x6e: {  	_ =	shalt  }
0x6f: {  	_ =	shalt  }
0x70: {  	_ =	shalt  }
0x71: {  	_ =	shalt  }
0x72: {  	_ =	shalt  }
0x73: {  	_ =	shalt  }
0x74: {  	_ =	shalt  }
0x75: {  	_ =	shalt  }
0x76: {  	_ =	shalt  }
0x77: {  	_ =	shalt  }
0x78: {  	_ =	shalt  }
0x79: {  	_ =	shalt  }
0x7a: {  	_ =	shalt  }
0x7b: {  	_ =	shalt  }
0x7c: {  	_ =	shalt  }
0x7d: {  	_ =	shalt  }
0x7e: {  	_ =	shalt  }
0x7f: {  	_ =	shalt  }
0x80: {  	_ =	shalt  }
0x81: {  	_ =	shalt  }
0x82: {  	_ =	shalt  }
0x83: {  	_ =	shalt  }
0x84: {  	_ =	shalt  }
0x85: {  	_ =	shalt  }
0x86: {  	_ =	shalt  }
0x87: {  	_ =	shalt  }
.Lfunc_end0:
.L_simem_size_0:
called_computation_lowered:
.L_overlay_start_0:
0x88: {  	s2 =	sld [smem:$0x3FD9]  }
0x89: {  	s3 =	sld [smem:$0x3FFE];
	_ =	sdelay $0x1  }
0x8a: {  	s1 =	srdreg.scid  }
0x8b: {  	s0 =	sand.u32 $0x1, s1  }
0x8c: {  	s16 =	sshll.u32 s0, $0xA;
	s2 =	sadd.s32 s3, s2  }
0x8d: {  	s2 =	sadd.s32 s2, s16  }
0x8e: {  	[smem:$0x3FC2] =	sst s2  }
0x8f: {  	_ = 	snop  }
0x90: {  	(tm) =	ssettm $0x1  }
0x91: {  	s17 =	sld [smem:$0x3FFB];
	_ =	sdelay $0x3  }
0x92: {  	_ =	strace s17  }
0x93: {  	s2 =	sld [smem:$0x3FFC];
	_ =	sdelay $0x3  }
0x94: {  	_ =	strace s2  }
0x95: {  	s2 =	sld [smem:$0x3FFD];
	_ =	sdelay $0x3  }
0x96: {  	_ =	strace s2  }
0x97: {  	_ =	strace $0x8FFFFFFF  }
0x98: {  	s18 =	sld [smem:$0x3FDB];
	_ =	sdelay $0x1  }
0x99: {  	s19 =	simm.s32 $_scs_section_size  }
0x9a: {  	s4 =	simm.s32 $_size__tile_overlayer_lowered;
	s5 =	simm.s32 $_tile_overlayer_lowered  }
0x9b: {  	s22 =	simm.s32 $0x1BFF;
	s21 =	sshll.u32 s5, $0x1;
	s2 =	sadd.s32 s19, s18  }
0x9c: {  	s6 =	simm.s32 $0x0;
	s20 =	sshll.u32 s4, $0x1;
	s4 =	sadd.s32 s21, s2  }
0x9d: {  	[timem:s6], [sflag:s22] =	dma.local [hbm:s4], s20  }
0x9e: {  	_ =	swait.ge [sflag:s22], s20  }
0x9f: {  	s3 =	ssub.s32 $0x0, s20;
	[sflag:s22] =	ssyncset.done $0x0  }
0xa0: {  	[sflag:s22] =	ssyncadd.s32 s3;
	_ =	sdelay $0x1  }
0xa1: {  	s23 =	simm.s32 $0x1B8B  }
0xa2: {  	_ =	swait.ge [sflag:s23], $0x1  }
0xa3: {  	[sflag:s23] =	ssyncset.done $0x0  }
0xa4: {  	s25 =	simm.s32 $0x1B8E;
	s24 =	sld [smem:$0x3FFE];
	[sflag:s23] =	ssyncadd.s32 $0xFFFFFFFF  }
0xa5: {  	s26 =	simm.s32 $execute0_lowered;
	[smem:$0x3FD2] =	sst s25  }
0xa6: {  	s4 =	sshll.u32 s26, $0x1;
	_ =	strace $0x80000046;
	[dreg:$0x1] =	wrdreg $0xFFFFFFFF  }
0xa7: {  	s28 =	simm.s32 $_size_execute0_lowered;
	s2 =	sadd.s32 s2, s4;
	[dreg:$0x0] =	wrdreg $0x0  }
0xa8: {  	s4 =	sshll.u32 s28, $0x1;
	[dreg:$0x2] =	wrdreg s2  }
0xa9: {  	[dreg:$0x3] =	wrdreg s4  }
0xaa: {  	[dreg:$0x4] =	wrdreg $0xC0  }
0xab: {  	_ =	task [dreg:s6], $0x5FFFF  }
0xac: {  	[dreg:$0x1] =	wrdreg $0xFFFFFFFF  }
0xad: {  	[dreg:$0x0] =	wrdreg $0x60  }
0xae: {  	[dreg:$0x2] =	wrdreg s24  }
0xaf: {  	[dreg:$0x3] =	wrdreg $0x9  }
0xb0: {  	_ =	task.clear_ibuf [dreg:s6], $0x4FFFF;
	_ =	strace $0x90000046  }
0xb1: {  	s29 =	simm.s32 $0x9;
	_ =	strace $0x80000048  }
0xb2: {  	_ =	swait.ge [sflag:s29], $0x1  }
0xb3: {  	[sflag:s29] =	ssyncadd.s32 $0xFFFFFFFF  }
0xb4: {  	_ =	strace $0x90000048  }
0xb5: {  	_ =	sfence  }
0xb6: {  	s30 =	sld [smem:$0x0];
	_ =	sdelay $0x2  }
0xb7: {  	s31 =	sshll.u32 s1, $0xD;
	s1 =	sshrl.u32 s1, $0x2  }
0xb8: {  	s3 =	sand.u32 $0x4000, s31;
	s1 =	sadd.s32 s1, s30  }
0xb9: {  	s0 =	sor.u32 s3, s0;
	s1 =	sshll.u32 s1, $0x11  }
0xba: {  	s0 =	sor.u32 s1, s0  }
0xbb: {  	s0 =	sadd.s32 $0x8F2B, s0  }
0xbc: {  	[sflag:s0] =	ssyncadd.remote.s32 $0x1  }
0xbd: {  	_ =	sfence.sel $0xFFFF  }
0xbe: {  	[dreg:$0x0] =	wrdreg $0xFFFFFFFF;
	(pc) =	sbr.abs _section_cstart, $3  }
0xbf: {  	[dreg:$0x1] =	wrdreg $0xFFFFFFFF  }
0xc0: {  	_ =	task.clear_ibuf [dreg:s6], $0x2FFFF;
	_ =	strace $0x9FFFFFFF  }
0xc1: {  	(tm) =	ssettm $0x7FFFFFFF  }
tec
execute0_lowered:
.L_overlay_start_1:
0x0: {  	(tag) =	ssettag $0x1  }
0x1: {  	s0 =	srdreg.scid  }
0x2: {  	s1 =	stileid.u32;
	s4 =	rddreg [dreg:$0x0]  }
0x3: {  	s2 =	simm.s32 $0x0;
	s7 =	simm.s32 $0x5;
	s8 =	simm.s32 $0x40  }
0x4: {  	s11 =	simm.s32 $0x48;
	s19 =	simm.s32 $0xB600;
	s20 =	simm.s32 $0x190  }
0x5: {  	s21 =	simm.s32 $0xC800;
	s22 =	simm.s32 $0x1D0;
	s23 =	simm.s32 $0xD800  }
0x6: {  	s24 =	simm.s32 $0x210;
	s25 =	simm.s32 $0xE800;
	s26 =	simm.s32 $0x1  }
0x7: {  	s28 =	simm.s32 $0xFA00;
	s29 =	simm.s32 $0x10A00;
	s30 =	simm.s32 $0x11A00  }
0x8: {  	s31 =	simm.s32 $0x2;
	s0 =	sand.u32 $0x1, s0;
	s1 =	sshll.u32 s1, $0x1  }
0x9: {  	s9 =	simm.s32 $0x12C00;
	s10 =	simm.s32 $0x0;
	s1 =	sor.u32 s0, s1  }
0xa: {  	[smem:$0x7FF] =	sst s2;
	s0 =	ssub.s32 $0x2, s0;
	s3 =	smul.u32 $0xC80, s1  }
0xb: {  	_ =	strace $0x80000047;
	s1 =	sshll.u32 s1, $0xA;
	s6 =	sshrl.u32 s0, $0x1  }
0xc: {  	s1 =	sadd.s32 s1, s4;
	s0 =	ssub.s32 s0, s6;
	s5 =	sadd.s32 s3, s4  }
0xd: {  	s3 =	sadd.s32 $0x187800, s4;
	s6 =	smax.u32 s0, $0x1;
	s0 =	simm.s32 $0x4  }
0xe: {  	s4 =	sadd.s32 $0xE00, s5;
	s5 =	sadd.s32 $0x19E00, s1;
	s1 =	simm.s32 $0x3  }
.LBB2_1:
0xf: {  	[tilespmem:s2], [sflag:$0x5] =	stream.linear.gather [hbm4b:s4+s2], $0x6400, $0x38;
	[tilespmem:$0x14C00] =	vst v63  }
0x10: {  	_ =	swait.ge [sflag:s7], $0x6400  }
0x11: {  	[sflag:s7] =	ssyncset.done $0x0  }
0x12: {  	s12 =	simm.s32 $0x6400;
	[sflag:s7] =	ssyncadd.s32 $0xFFFF9C00  }
0x13: {  	[tilespmem:s12], [sflag:$0x1] =	stream.indirect.gather [hbm4b:s3+s8], $0x40, s2, s8, $0xb8;
	[tilespmem:$0x14C00] =	vst v63  }
0x14: {  	s17 =	simm.s32 $0x7400  }
0x15: {  	[tilespmem:s17], [sflag:$0x1] =	stream.indirect.gather [hbm4b:s3+s8], $0x40, s8, s8, $0xb8;
	[tilespmem:$0x14C00] =	vst v63  }
0x16: {  	s18 =	simm.s32 $0x80;
	s13 =	simm.s32 $0x8400  }
0x17: {  	[tilespmem:s13], [sflag:$0x1] =	stream.indirect.gather [hbm4b:s3+s11], $0x40, s18, s11, $0xb8;
	[tilespmem:$0x14C00] =	vst v63  }
0x18: {  	s14 =	simm.s32 $0xC8;
	s15 =	simm.s32 $0x9600  }
0x19: {  	[tilespmem:s15], [sflag:$0x2] =	stream.indirect.gather [hbm4b:s3+s8], $0x40, s14, s8, $0xb8;
	[tilespmem:$0x14C00] =	vst v63  }
0x1a: {  	s16 =	simm.s32 $0x108;
	s17 =	simm.s32 $0xA600  }
0x1b: {  	[tilespmem:s17], [sflag:$0x2] =	stream.indirect.gather [hbm4b:s3+s8], $0x40, s16, s8, $0xb8;
	[tilespmem:$0x14C00] =	vst v63  }
0x1c: {  	s18 =	simm.s32 $0x148  }
0x1d: {  	[tilespmem:s19], [sflag:$0x2] =	stream.indirect.gather [hbm4b:s3+s11], $0x40, s18, s11, $0xb8;
	[tilespmem:$0x14C00] =	vst v63  }
0x1e: {  	_ = 	snop  }
0x1f: {  	[tilespmem:s21], [sflag:$0x3] =	stream.indirect.gather [hbm4b:s3+s8], $0x40, s20, s8, $0xb8;
	[tilespmem:$0x14C00] =	vst v63  }
0x20: {  	_ = 	snop  }
0x21: {  	[tilespmem:s23], [sflag:$0x3] =	stream.indirect.gather [hbm4b:s3+s8], $0x40, s22, s8, $0xb8;
	[tilespmem:$0x14C00] =	vst v63  }
0x22: {  	s12 =	simm.s32 $0x0  }
0x23: {  	[tilespmem:s25], [sflag:$0x3] =	stream.indirect.gather [hbm4b:s3+s11], $0x40, s24, s11, $0xb8;
	[tilespmem:$0x14C00] =	vst v63  }
.LBB2_2:
0x24: {  	s13 =	sshllo.u32 s12, $0x2  }
0x25: {  	_ =	swait.ge [sflag:s26], $0x3200;
	s14 =	smul.u32 $0x320, s13  }
0x26: {  	[sflag:s26] =	ssyncset.done $0x0  }
0x27: {  	[sflag:s26] =	ssyncadd.s32 $0xFFFFCE00;
	s14 =	sshra.s32 s14, $0x2  }
0x28: {  	[tilespmem:s28], [sflag:$0x4] =	stream.indirect.gather [hbm4b:s3+s8], $0x40, s14, s8, $0xb8;
	[tilespmem:$0x14C00] =	vst v63  }
0x29: {  	s15 =	sadd.s32 $0x40, s14  }
0x2a: {  	[tilespmem:s29], [sflag:$0x4] =	stream.indirect.gather [hbm4b:s3+s8], $0x40, s15, s8, $0xb8;
	[tilespmem:$0x14C00] =	vst v63  }
0x2b: {  	s14 =	sadd.s32 $0x80, s14  }
0x2c: {  	[tilespmem:s30], [sflag:$0x4] =	stream.indirect.gather [hbm4b:s3+s11], $0x40, s14, s11, $0xb8;
	[tilespmem:$0x14C00] =	vst v63  }
0x2d: {  	s14 =	simm.s32 $0x0  }
0x2e: {  	v0 =	vld [tilespmem:s14+$0x64C0]  }
0x2f: {  	v1 =	vld [tilespmem:s14+$0x64D0]  }
0x30: {  	v2 =	vld [tilespmem:s14+$0x6480]  }
0x31: {  	v3 =	vld [tilespmem:s14+$0x6490]  }
0x32: {  	v4 =	vld [tilespmem:s14+$0x6440]  }
0x33: {  	v5 =	vld [tilespmem:s14+$0x6450]  }
0x34: {  	v10 =	vld [tilespmem:s14+$0x6400]  }
0x35: {  	v6 =	vimm.f32 $0.0e+00;
	v12 =	vld [tilespmem:s14+$0x6410]  }
0x36: {  	v9 =	vimm.f32 $0.0e+00;
	v8 =	vimm.f32 $0.0e+00;
	v7 =	vimm.f32 $0.0e+00;
	s15 =	simm.s32 $0x400;
	v11 =	vld [tilespmem:s14+$0x6420]  }
.LBB2_3:
0x37: {  	p0 =	sne.s32 s15, $0xC400;
	v13 =	vld [tilespmem:s14+$0x6430]  }
0x38: {  	v14 =	vld [tilespmem:s14+$0x6460]  }
0x39: {  	v15 =	vld [tilespmem:s14+$0x6470]  }
0x3a: {  	v16 =	vld [tilespmem:s14+$0x64A0]  }
0x3b: {  	v6 =	vadd.f32 v10, v6;
	v9 =	vadd.f32 v12, v9;
	v10 =	vld [tilespmem:s14+$0x64B0]  }
0x3c: {  	v8 =	vadd.f32 v11, v8;
	v7 =	vadd.f32 v13, v7;
	v11 =	vld [tilespmem:s14+$0x64E0]  }
0x3d: {  	v4 =	vadd.f32 v4, v6;
	v5 =	vadd.f32 v5, v9;
	v12 =	vld [tilespmem:s14+$0x64F0];
	s14 =	sshra.s32 s15, $0x2  }
0x3e: {  	v6 =	vadd.f32 v14, v8;
	v13 =	vld [tilespmem:s14+$0x64C0];
	v7 =	vadd.f32 v15, v7  }
0x3f: {  	v4 =	vadd.f32 v2, v4;
	v5 =	vadd.f32 v3, v5;
	v14 =	vld [tilespmem:s14+$0x64D0]  }
0x40: {  	v8 =	vadd.f32 v16, v6;
	v2 =	vld [tilespmem:s14+$0x6480];
	v7 =	vadd.f32 v10, v7  }
0x41: {  	v6 =	vadd.f32 v0, v4;
	v9 =	vadd.f32 v1, v5;
	v3 =	vld [tilespmem:s14+$0x6490]  }
.Ltmp0:
0x42: {  	v8 =	vadd.f32 v11, v8;
	v4 =	vld [tilespmem:s14+$0x6440];
	v7 =	vadd.f32 v12, v7;
	(pc) =	sbr.rel @p0 .LBB2_3-.Ltmp0, $4  }
0x43: {  	v5 =	vld [tilespmem:s14+$0x6450];
	v0 =	vmov v13  }
0x44: {  	v10 =	vld [tilespmem:s14+$0x6400];
	v1 =	vmov v14  }
0x45: {  	v12 =	vld [tilespmem:s14+$0x6410]  }
0x46: {  	s15 =	sadd.s32 $0x400, s15;
	v11 =	vld [tilespmem:s14+$0x6420]  }
0x47: {  	v13 =	vld [tilespmem:s14+$0x6430]  }
0x48: {  	v14 =	vld [tilespmem:s14+$0x6460]  }
0x49: {  	v15 =	vld [tilespmem:s14+$0x6470];
	v6 =	vadd.f32 v10, v6  }
0x4a: {  	v10 =	vld [tilespmem:s14+$0x64A0];
	v9 =	vadd.f32 v12, v9  }
0x4b: {  	v12 =	vld [tilespmem:s14+$0x64B0];
	v8 =	vadd.f32 v11, v8;
	v4 =	vadd.f32 v4, v6  }
0x4c: {  	v6 =	vadd.f32 v13, v7;
	v7 =	vld [tilespmem:s14+$0x64E0];
	v5 =	vadd.f32 v5, v9  }
0x4d: {  	v9 =	vld [tilespmem:s14+$0x64F0];
	v8 =	vadd.f32 v14, v8;
	v2 =	vadd.f32 v2, v4  }
0x4e: {  	v4 =	vadd.f32 v15, v6;
	v3 =	vadd.f32 v3, v5  }
0x4f: {  	v5 =	vadd.f32 v10, v8;
	v0 =	vadd.f32 v0, v2  }
0x50: {  	v2 =	vadd.f32 v12, v4;
	v1 =	vadd.f32 v1, v3  }
0x51: {  	s18 =	sshll.u32 s12, $0x8;
	v3 =	vadd.f32 v7, v5;
	v0 =	vmul.f32 $4.999999890e-03, v0  }
0x52: {  	s14 =	sand.u32 $0x3FFFFF00, s18;
	v2 =	vadd.f32 v9, v2;
	v1 =	vmul.f32 $4.999999890e-03, v1  }
0x53: {  	[tilespmem:s14+$0x12C00] =	vst v0;
	v0 =	vmul.f32 $4.999999890e-03, v3  }
0x54: {  	[tilespmem:s14+$0x12C10] =	vst v1;
	v1 =	vmul.f32 $4.999999890e-03, v2  }
0x55: {  	p0 =	seq.s32 s12, $0x1F;
	[tilespmem:s14+$0x12C20] =	vst v0  }
0x56: {  	s15 =	smul.u32 @!p0 $0xC80, s12;
	[tilespmem:s14+$0x12C30] =	vst v1  }
0x57: {  	_ =	swait.ge [sflag:s31], $0x3200  }
0x58: {  	s17 =	simm.s32 @!p0 $0x40;
	s15 =	sshra.s32 @!p0 s15, $0x2;
	[sflag:s31] =	ssyncset.done $0x0  }
0x59: {  	s16 =	sadd.s32 @!p0 $0x320, s15;
	s18 =	simm.s32 @!p0 $0x6400;
	[sflag:s31] =	ssyncadd.s32 $0xFFFFCE00  }
0x5a: {  	[tilespmem:s18], [sflag:$0x1] =	stream.indirect.gather @!p0 [hbm4b:s3+s17], $0x40, s16, s17, $0xb8;
	[tilespmem:$0x14C00] =	vst v63  }
0x5b: {  	s16 =	sadd.s32 @!p0 $0x360, s15;
	s18 =	simm.s32 @!p0 $0x7400  }
0x5c: {  	[tilespmem:s18], [sflag:$0x1] =	stream.indirect.gather @!p0 [hbm4b:s3+s17], $0x40, s16, s17, $0xb8;
	[tilespmem:$0x14C00] =	vst v63  }
0x5d: {  	s16 =	sadd.s32 @!p0 $0x3A0, s15;
	s17 =	simm.s32 @!p0 $0x48;
	s18 =	simm.s32 @!p0 $0x8400  }
0x5e: {  	[tilespmem:s18], [sflag:$0x1] =	stream.indirect.gather @!p0 [hbm4b:s3+s17], $0x40, s16, s17, $0xb8;
	[tilespmem:$0x14C00] =	vst v63  }
0x5f: {  	s16 =	simm.s32 $0x0  }
0x60: {  	v0 =	vld [tilespmem:s16+$0x96C0]  }
0x61: {  	v1 =	vld [tilespmem:s16+$0x96D0]  }
0x62: {  	v2 =	vld [tilespmem:s16+$0x9680]  }
0x63: {  	v3 =	vld [tilespmem:s16+$0x9690]  }
0x64: {  	v4 =	vld [tilespmem:s16+$0x9640]  }
0x65: {  	v5 =	vld [tilespmem:s16+$0x9650]  }
0x66: {  	v10 =	vld [tilespmem:s16+$0x9600]  }
0x67: {  	v6 =	vimm.f32 $0.0e+00;
	v12 =	vld [tilespmem:s16+$0x9610]  }
0x68: {  	v8 =	vimm.f32 $0.0e+00;
	v7 =	vimm.f32 $0.0e+00;
	v9 =	vimm.f32 $0.0e+00;
	s17 =	simm.s32 $0x400;
	v11 =	vld [tilespmem:s16+$0x9620]  }
.LBB2_5:
0x69: {  	p1 =	sne.s32 s17, $0xC400;
	v13 =	vld [tilespmem:s16+$0x9630]  }
0x6a: {  	v14 =	vld [tilespmem:s16+$0x9660]  }
0x6b: {  	v15 =	vld [tilespmem:s16+$0x9670]  }
0x6c: {  	v16 =	vld [tilespmem:s16+$0x96A0]  }
0x6d: {  	v6 =	vadd.f32 v10, v6;
	v9 =	vadd.f32 v12, v9;
	v10 =	vld [tilespmem:s16+$0x96B0]  }
0x6e: {  	v8 =	vadd.f32 v11, v8;
	v7 =	vadd.f32 v13, v7;
	v11 =	vld [tilespmem:s16+$0x96E0]  }
0x6f: {  	v4 =	vadd.f32 v4, v6;
	v5 =	vadd.f32 v5, v9;
	v12 =	vld [tilespmem:s16+$0x96F0];
	s16 =	sshra.s32 s17, $0x2  }
0x70: {  	v6 =	vadd.f32 v14, v8;
	v13 =	vld [tilespmem:s16+$0x96C0];
	v7 =	vadd.f32 v15, v7  }
0x71: {  	v4 =	vadd.f32 v2, v4;
	v5 =	vadd.f32 v3, v5;
	v14 =	vld [tilespmem:s16+$0x96D0]  }
0x72: {  	v8 =	vadd.f32 v16, v6;
	v2 =	vld [tilespmem:s16+$0x9680];
	v7 =	vadd.f32 v10, v7  }
0x73: {  	v6 =	vadd.f32 v0, v4;
	v9 =	vadd.f32 v1, v5;
	v3 =	vld [tilespmem:s16+$0x9690]  }
.Ltmp1:
0x74: {  	v8 =	vadd.f32 v11, v8;
	v4 =	vld [tilespmem:s16+$0x9640];
	v7 =	vadd.f32 v12, v7;
	(pc) =	sbr.rel @p1 .LBB2_5-.Ltmp1, $4  }
0x75: {  	v5 =	vld [tilespmem:s16+$0x9650];
	v0 =	vmov v13  }
0x76: {  	v10 =	vld [tilespmem:s16+$0x9600];
	v1 =	vmov v14  }
0x77: {  	v12 =	vld [tilespmem:s16+$0x9610]  }
0x78: {  	s17 =	sadd.s32 $0x400, s17;
	v11 =	vld [tilespmem:s16+$0x9620]  }
0x79: {  	v13 =	vld [tilespmem:s16+$0x9630]  }
0x7a: {  	v14 =	vld [tilespmem:s16+$0x9660]  }
0x7b: {  	v15 =	vld [tilespmem:s16+$0x9670];
	v6 =	vadd.f32 v10, v6  }
0x7c: {  	v10 =	vld [tilespmem:s16+$0x96A0];
	v9 =	vadd.f32 v12, v9  }
0x7d: {  	v12 =	vld [tilespmem:s16+$0x96B0];
	v8 =	vadd.f32 v11, v8;
	v4 =	vadd.f32 v4, v6  }
0x7e: {  	v6 =	vadd.f32 v13, v7;
	v7 =	vld [tilespmem:s16+$0x96E0];
	v5 =	vadd.f32 v5, v9  }
0x7f: {  	v9 =	vld [tilespmem:s16+$0x96F0];
	v8 =	vadd.f32 v14, v8;
	v2 =	vadd.f32 v2, v4  }
0x80: {  	v4 =	vadd.f32 v15, v6;
	v3 =	vadd.f32 v3, v5  }
0x81: {  	v5 =	vadd.f32 v10, v8;
	v0 =	vadd.f32 v0, v2  }
0x82: {  	v2 =	vadd.f32 v12, v4;
	v1 =	vadd.f32 v1, v3  }
0x83: {  	v3 =	vadd.f32 v7, v5;
	v0 =	vmul.f32 $4.999999890e-03, v0  }
0x84: {  	v2 =	vadd.f32 v9, v2;
	v1 =	vmul.f32 $4.999999890e-03, v1  }
0x85: {  	[tilespmem:s14+$0x12C40] =	vst v0;
	v0 =	vmul.f32 $4.999999890e-03, v3  }
0x86: {  	[tilespmem:s14+$0x12C50] =	vst v1;
	v1 =	vmul.f32 $4.999999890e-03, v2  }
0x87: {  	[tilespmem:s14+$0x12C60] =	vst v0  }
0x88: {  	[tilespmem:s14+$0x12C70] =	vst v1  }
0x89: {  	_ =	swait.ge [sflag:s1], $0x3200  }
0x8a: {  	s17 =	simm.s32 @!p0 $0x40;
	[sflag:s1] =	ssyncset.done $0x0  }
0x8b: {  	s18 =	simm.s32 @!p0 $0x9600;
	s16 =	sadd.s32 @!p0 $0x3E8, s15;
	[sflag:s1] =	ssyncadd.s32 $0xFFFFCE00  }
0x8c: {  	[tilespmem:s18], [sflag:$0x2] =	stream.indirect.gather @!p0 [hbm4b:s3+s17], $0x40, s16, s17, $0xb8;
	[tilespmem:$0x14C00] =	vst v63  }
0x8d: {  	s16 =	sadd.s32 @!p0 $0x428, s15;
	s18 =	simm.s32 @!p0 $0xA600  }
0x8e: {  	[tilespmem:s18], [sflag:$0x2] =	stream.indirect.gather @!p0 [hbm4b:s3+s17], $0x40, s16, s17, $0xb8;
	[tilespmem:$0x14C00] =	vst v63  }
0x8f: {  	s16 =	sadd.s32 @!p0 $0x468, s15;
	s17 =	simm.s32 @!p0 $0x48;
	s18 =	simm.s32 @!p0 $0xB600  }
0x90: {  	[tilespmem:s18], [sflag:$0x2] =	stream.indirect.gather @!p0 [hbm4b:s3+s17], $0x40, s16, s17, $0xb8;
	[tilespmem:$0x14C00] =	vst v63  }
0x91: {  	s16 =	simm.s32 $0x0  }
0x92: {  	v0 =	vld [tilespmem:s16+$0xC8C0]  }
0x93: {  	v1 =	vld [tilespmem:s16+$0xC8D0]  }
0x94: {  	v2 =	vld [tilespmem:s16+$0xC880]  }
0x95: {  	v3 =	vld [tilespmem:s16+$0xC890]  }
0x96: {  	v4 =	vld [tilespmem:s16+$0xC840]  }
0x97: {  	v5 =	vld [tilespmem:s16+$0xC850]  }
0x98: {  	v10 =	vld [tilespmem:s16+$0xC800]  }
0x99: {  	v6 =	vimm.f32 $0.0e+00;
	v12 =	vld [tilespmem:s16+$0xC810]  }
0x9a: {  	v8 =	vimm.f32 $0.0e+00;
	v7 =	vimm.f32 $0.0e+00;
	v9 =	vimm.f32 $0.0e+00;
	s17 =	simm.s32 $0x400;
	v11 =	vld [tilespmem:s16+$0xC820]  }
.LBB2_7:
0x9b: {  	p1 =	sne.s32 s17, $0xC400;
	v13 =	vld [tilespmem:s16+$0xC830]  }
0x9c: {  	v14 =	vld [tilespmem:s16+$0xC860]  }
0x9d: {  	v15 =	vld [tilespmem:s16+$0xC870]  }
0x9e: {  	v16 =	vld [tilespmem:s16+$0xC8A0]  }
0x9f: {  	v6 =	vadd.f32 v10, v6;
	v9 =	vadd.f32 v12, v9;
	v10 =	vld [tilespmem:s16+$0xC8B0]  }
0xa0: {  	v8 =	vadd.f32 v11, v8;
	v7 =	vadd.f32 v13, v7;
	v11 =	vld [tilespmem:s16+$0xC8E0]  }
0xa1: {  	v4 =	vadd.f32 v4, v6;
	v5 =	vadd.f32 v5, v9;
	v12 =	vld [tilespmem:s16+$0xC8F0];
	s16 =	sshra.s32 s17, $0x2  }
0xa2: {  	v6 =	vadd.f32 v14, v8;
	v13 =	vld [tilespmem:s16+$0xC8C0];
	v7 =	vadd.f32 v15, v7  }
0xa3: {  	v4 =	vadd.f32 v2, v4;
	v5 =	vadd.f32 v3, v5;
	v14 =	vld [tilespmem:s16+$0xC8D0]  }
0xa4: {  	v8 =	vadd.f32 v16, v6;
	v2 =	vld [tilespmem:s16+$0xC880];
	v7 =	vadd.f32 v10, v7  }
0xa5: {  	v6 =	vadd.f32 v0, v4;
	v9 =	vadd.f32 v1, v5;
	v3 =	vld [tilespmem:s16+$0xC890]  }
.Ltmp2:
0xa6: {  	v8 =	vadd.f32 v11, v8;
	v4 =	vld [tilespmem:s16+$0xC840];
	v7 =	vadd.f32 v12, v7;
	(pc) =	sbr.rel @p1 .LBB2_7-.Ltmp2, $4  }
0xa7: {  	v5 =	vld [tilespmem:s16+$0xC850];
	v0 =	vmov v13  }
0xa8: {  	v10 =	vld [tilespmem:s16+$0xC800];
	v1 =	vmov v14  }
0xa9: {  	v12 =	vld [tilespmem:s16+$0xC810]  }
0xaa: {  	s17 =	sadd.s32 $0x400, s17;
	v11 =	vld [tilespmem:s16+$0xC820]  }
0xab: {  	v13 =	vld [tilespmem:s16+$0xC830]  }
0xac: {  	v14 =	vld [tilespmem:s16+$0xC860]  }
0xad: {  	v15 =	vld [tilespmem:s16+$0xC870];
	v6 =	vadd.f32 v10, v6  }
0xae: {  	v10 =	vld [tilespmem:s16+$0xC8A0];
	v9 =	vadd.f32 v12, v9  }
0xaf: {  	v12 =	vld [tilespmem:s16+$0xC8B0];
	v8 =	vadd.f32 v11, v8;
	v4 =	vadd.f32 v4, v6  }
0xb0: {  	v6 =	vadd.f32 v13, v7;
	v7 =	vld [tilespmem:s16+$0xC8E0];
	v5 =	vadd.f32 v5, v9  }
0xb1: {  	v9 =	vld [tilespmem:s16+$0xC8F0];
	v8 =	vadd.f32 v14, v8;
	v2 =	vadd.f32 v2, v4  }
0xb2: {  	v4 =	vadd.f32 v15, v6;
	v3 =	vadd.f32 v3, v5  }
0xb3: {  	v5 =	vadd.f32 v10, v8;
	v0 =	vadd.f32 v0, v2  }
0xb4: {  	v2 =	vadd.f32 v12, v4;
	v1 =	vadd.f32 v1, v3  }
0xb5: {  	v3 =	vadd.f32 v7, v5;
	v0 =	vmul.f32 $4.999999890e-03, v0  }
0xb6: {  	v2 =	vadd.f32 v9, v2;
	v1 =	vmul.f32 $4.999999890e-03, v1  }
0xb7: {  	[tilespmem:s14+$0x12C80] =	vst v0;
	v0 =	vmul.f32 $4.999999890e-03, v3  }
0xb8: {  	[tilespmem:s14+$0x12C90] =	vst v1;
	v1 =	vmul.f32 $4.999999890e-03, v2  }
0xb9: {  	[tilespmem:s14+$0x12CA0] =	vst v0  }
0xba: {  	[tilespmem:s14+$0x12CB0] =	vst v1  }
0xbb: {  	_ =	swait.ge [sflag:s0], $0x3200  }
0xbc: {  	s17 =	simm.s32 @!p0 $0xC800;
	[sflag:s0] =	ssyncset.done $0x0  }
0xbd: {  	s16 =	simm.s32 @!p0 $0x40;
	s14 =	sadd.s32 @!p0 $0x4B0, s15;
	[sflag:s0] =	ssyncadd.s32 $0xFFFFCE00  }
0xbe: {  	[tilespmem:s17], [sflag:$0x3] =	stream.indirect.gather @!p0 [hbm4b:s3+s16], $0x40, s14, s16, $0xb8;
	[tilespmem:$0x14C00] =	vst v63  }
0xbf: {  	s14 =	sadd.s32 @!p0 $0x4F0, s15;
	s17 =	simm.s32 @!p0 $0xD800  }
0xc0: {  	[tilespmem:s17], [sflag:$0x3] =	stream.indirect.gather @!p0 [hbm4b:s3+s16], $0x40, s14, s16, $0xb8;
	[tilespmem:$0x14C00] =	vst v63  }
0xc1: {  	s14 =	sadd.s32 @!p0 $0x530, s15;
	s15 =	simm.s32 @!p0 $0x48;
	s16 =	simm.s32 @!p0 $0xE800  }
0xc2: {  	[tilespmem:s16], [sflag:$0x3] =	stream.indirect.gather @!p0 [hbm4b:s3+s15], $0x40, s14, s15, $0xb8;
	[tilespmem:$0x14C00] =	vst v63  }
0xc3: {  	s14 =	simm.s32 $0x0  }
0xc4: {  	v0 =	vld [tilespmem:s14+$0xFAC0]  }
0xc5: {  	v1 =	vld [tilespmem:s14+$0xFAD0]  }
0xc6: {  	v2 =	vld [tilespmem:s14+$0xFA80]  }
0xc7: {  	v3 =	vld [tilespmem:s14+$0xFA90]  }
0xc8: {  	v4 =	vld [tilespmem:s14+$0xFA40]  }
0xc9: {  	v5 =	vld [tilespmem:s14+$0xFA50]  }
0xca: {  	v10 =	vld [tilespmem:s14+$0xFA00]  }
0xcb: {  	v6 =	vimm.f32 $0.0e+00;
	v12 =	vld [tilespmem:s14+$0xFA10]  }
0xcc: {  	v8 =	vimm.f32 $0.0e+00;
	v7 =	vimm.f32 $0.0e+00;
	v9 =	vimm.f32 $0.0e+00;
	s15 =	simm.s32 $0x400;
	v11 =	vld [tilespmem:s14+$0xFA20]  }
.LBB2_9:
0xcd: {  	p0 =	sne.s32 s15, $0xC400;
	v13 =	vld [tilespmem:s14+$0xFA30]  }
0xce: {  	v14 =	vld [tilespmem:s14+$0xFA60]  }
0xcf: {  	v15 =	vld [tilespmem:s14+$0xFA70]  }
0xd0: {  	v16 =	vld [tilespmem:s14+$0xFAA0]  }
0xd1: {  	v6 =	vadd.f32 v10, v6;
	v9 =	vadd.f32 v12, v9;
	v10 =	vld [tilespmem:s14+$0xFAB0]  }
0xd2: {  	v8 =	vadd.f32 v11, v8;
	v7 =	vadd.f32 v13, v7;
	v11 =	vld [tilespmem:s14+$0xFAE0]  }
0xd3: {  	v4 =	vadd.f32 v4, v6;
	v5 =	vadd.f32 v5, v9;
	v12 =	vld [tilespmem:s14+$0xFAF0];
	s14 =	sshra.s32 s15, $0x2  }
0xd4: {  	v6 =	vadd.f32 v14, v8;
	v13 =	vld [tilespmem:s14+$0xFAC0];
	v7 =	vadd.f32 v15, v7  }
0xd5: {  	v4 =	vadd.f32 v2, v4;
	v5 =	vadd.f32 v3, v5;
	v14 =	vld [tilespmem:s14+$0xFAD0]  }
0xd6: {  	v8 =	vadd.f32 v16, v6;
	v2 =	vld [tilespmem:s14+$0xFA80];
	v7 =	vadd.f32 v10, v7  }
0xd7: {  	v6 =	vadd.f32 v0, v4;
	v9 =	vadd.f32 v1, v5;
	v3 =	vld [tilespmem:s14+$0xFA90]  }
.Ltmp3:
0xd8: {  	v8 =	vadd.f32 v11, v8;
	v4 =	vld [tilespmem:s14+$0xFA40];
	v7 =	vadd.f32 v12, v7;
	(pc) =	sbr.rel @p0 .LBB2_9-.Ltmp3, $4  }
0xd9: {  	v5 =	vld [tilespmem:s14+$0xFA50];
	v0 =	vmov v13  }
0xda: {  	v10 =	vld [tilespmem:s14+$0xFA00];
	v1 =	vmov v14  }
0xdb: {  	v12 =	vld [tilespmem:s14+$0xFA10]  }
0xdc: {  	s15 =	sadd.s32 $0x400, s15;
	v11 =	vld [tilespmem:s14+$0xFA20]  }
0xdd: {  	v13 =	vld [tilespmem:s14+$0xFA30]  }
0xde: {  	v14 =	vld [tilespmem:s14+$0xFA60]  }
0xdf: {  	v15 =	vld [tilespmem:s14+$0xFA70];
	v6 =	vadd.f32 v10, v6  }
0xe0: {  	v53 =	vld [tilespmem:s14+$0xFAA0];
	v9 =	vadd.f32 v12, v9  }
0xe1: {  	v54 =	vld [tilespmem:s14+$0xFAB0];
	v8 =	vadd.f32 v11, v8;
	v4 =	vadd.f32 v4, v6  }
0xe2: {  	v56 =	vld [tilespmem:s14+$0xFAE0];
	v55 =	vadd.f32 v13, v7;
	v5 =	vadd.f32 v5, v9  }
0xe3: {  	v57 =	vld [tilespmem:s14+$0xFAF0];
	v8 =	vadd.f32 v14, v8;
	v2 =	vadd.f32 v2, v4  }
0xe4: {  	v58 =	vadd.f32 v15, v55;
	v3 =	vadd.f32 v3, v5  }
0xe5: {  	v59 =	vadd.f32 v53, v8;
	v0 =	vadd.f32 v0, v2  }
0xe6: {  	s12 =	sadd.s32 $0x1, s12;
	v60 =	vadd.f32 v54, v58;
	v1 =	vadd.f32 v1, v3  }
0xe7: {  	s13 =	sshll.u32 s13, $0x6;
	p0 =	sne.s32 s12, $0x20;
	v61 =	vadd.f32 v56, v59;
	v0 =	vmul.f32 $4.999999890e-03, v0  }
.Ltmp4:
0xe8: {  	s13 =	sand.u32 $0x3FFFFFC0, s13;
	v2 =	vadd.f32 v57, v60;
	v1 =	vmul.f32 $4.999999890e-03, v1;
	(pc) =	sbr.rel @p0 .LBB2_2-.Ltmp4, $4  }
0xe9: {  	[tilespmem:s13+$0x12C00] =	vst v0;
	v62 =	vmul.f32 $4.999999890e-03, v61  }
0xea: {  	[tilespmem:s13+$0x12C10] =	vst v1;
	v63 =	vmul.f32 $4.999999890e-03, v2  }
0xeb: {  	[tilespmem:s13+$0x12C20] =	vst v62  }
0xec: {  	[tilespmem:s13+$0x12C30] =	vst v63  }
0xed: {  	s10 =	sadd.s32 $0x1, s10  }
0xee: {  	p0 =	sne.s32 s10, s6  }
.Ltmp5:
0xef: {  	_ = 	snop;
	(pc) =	sbr.rel @p0 .LBB2_1-.Ltmp5, $4  }
0xf0: {  	[hbm4b:s5+s2] =	stream.linear.scatter [tilespmem:s9], [sflag:$0x5], $0x2000, $0x38;
	[tilespmem:$0x14C00] =	vst v63  }
0xf1: {  	_ =	swait.ge [sflag:s7], $0x2000  }
0xf2: {  	[sflag:s7] =	ssyncset.done $0x0  }
0xf3: {  	[sflag:s7] =	ssyncadd.s32 $0xFFFFE000  }
0xf4: {  	_ =	sfence.sel $0x180000  }
0xf5: {  	[bflag:$0x0] =	sbarrier.arrive $0xFFFF  }
0xf6: {  	_ =	strace $0x90000047  }
0xf7: {  	s0 =	stileid.u32;
	[bflag:$0x2] =	sbarrier.arrive $0xFFFF  }
0xf8: {  	p0 =	sne.s32 s0, $0x0;
	s0 =	rddreg [dreg:$0x1]  }
0xf9: {  	s0 =	sadd.s32 @!p0 $0x100000, s0  }
0xfa: {  	[sflag:s0] =	ssyncadd.tile.s32 @!p0 $0x1;
	_ =	shalt  }
.Lfunc_end2:
_tile_overlayer_lowered:
.L_overlay_start_2:
0xfb: {  	(tag) =	ssettag $0x2  }
0xfc: {  	s0 =	rddreg [dreg:$0x0];
	s2 =	stileid.u32  }
0xfd: {  	s1 =	rddreg [dreg:$0x1];
	p0 =	sne.s32 s2, $0x0  }
0xfe: {  	s3 =	rddreg [dreg:$0x2];
	[bflag:$0x3] =	sbarrier.arrive $0xFFFF;
	s2 =	simm.s32 @!p0 $0x1C05  }
0xff: {  	[timem:s3], [sflag:s2] =	dma.local @!p0 [hbm:s0], s1  }
0x100: {  	s0 =	simm.s32 @!p0 $0x5  }
0x101: {  	_ =	swait.ge @!p0 [sflag:s0], s1  }
0x102: {  	s1 =	ssub.s32 @!p0 $0x0, s1;
	[sflag:s0] =	ssyncset.done @!p0 $0x0  }
0x103: {  	[sflag:s0] =	ssyncadd.s32 @!p0 s1  }
0x104: {  	[bflag:$0x3] =	sbarrier.arrive $0xFFFF  }
0x105: {  	_ =	shalt  }

</sc_bundles>
